<compile_context>
chip_gen: v7x
topology: tpu7x:2x2x1
jax: 0.10.2.dev20260603
libtpu: 0.0.44.dev20260713+nightly
codegen_flags: <defaults>
</compile_context>

<pallas_src>
import functools

import jax
import jax.numpy as jnp
from jax import lax
from jax.experimental import pallas as pl
from jax.experimental.pallas import tpu as pltpu
from jax.experimental.pallas import tpu_sc as plsc

_NBUF = 4


@functools.lru_cache(maxsize=None)
def _build_gather(N, V, D, NC, NS, C):
    NW = NC * NS
    b_per_w = N // NW
    n_chunks = b_per_w // C
    n_grp = n_chunks // _NBUF

    stripe = V // NS

    mesh = plsc.VectorSubcoreMesh(core_axis_name="c", subcore_axis_name="s")

    @functools.partial(
        pl.kernel,
        mesh=mesh,
        out_type=jax.ShapeDtypeStruct((NW, n_chunks, C, D), jnp.float32),
        scratch_types=[
            pltpu.VMEM((n_chunks, C), jnp.int32),
            pltpu.VMEM((_NBUF, C, D), jnp.float32),
            pltpu.VMEM_SHARED((V, D), jnp.float32),
        ]
        + [pltpu.SemaphoreType.DMA] * (2 * _NBUF),
    )
    def k(table_hbm, idx_hbm, out_hbm, idx_v, rows_v, table_sh, *sems):
        gsems = sems[:_NBUF]
        ssems = sems[_NBUF:]
        cid = lax.axis_index("c")
        sid = lax.axis_index("s")
        wid = sid * NC + cid

        off = sid * stripe
        pltpu.sync_copy(table_hbm.at[pl.ds(off, stripe)], table_sh.at[pl.ds(off, stripe)])

        head = 8
        pltpu.sync_copy(idx_hbm.at[wid, pl.ds(0, head)], idx_v.at[pl.ds(0, head)])
        plsc.subcore_barrier()

        for b in range(_NBUF):
            pltpu.async_copy(table_sh.at[idx_v.at[b]], rows_v.at[b], gsems[b])

        pltpu.sync_copy(
            idx_hbm.at[wid, pl.ds(head, n_chunks - head)],
            idx_v.at[pl.ds(head, n_chunks - head)],
        )

        def grp(g, carry):
            for b in range(_NBUF):
                j = _NBUF * g + b
                pltpu.make_async_copy(
                    table_sh.at[idx_v.at[j]], rows_v.at[b], gsems[b]
                ).wait()
                pltpu.async_copy(rows_v.at[b], out_hbm.at[wid, j], ssems[b])
                pltpu.make_async_copy(
                    rows_v.at[b], out_hbm.at[wid, j], ssems[b]
                ).wait()
                pltpu.async_copy(
                    table_sh.at[idx_v.at[j + _NBUF]], rows_v.at[b], gsems[b]
                )
            return carry

        lax.fori_loop(0, n_grp - 1, grp, 0)

        for b in range(_NBUF):
            j = _NBUF * (n_grp - 1) + b
            pltpu.make_async_copy(
                table_sh.at[idx_v.at[j]], rows_v.at[b], gsems[b]
            ).wait()
            pltpu.async_copy(rows_v.at[b], out_hbm.at[wid, j], ssems[b])
        for b in range(_NBUF):
            j = _NBUF * (n_grp - 1) + b
            pltpu.make_async_copy(rows_v.at[b], out_hbm.at[wid, j], ssems[b]).wait()

    return k


def kernel(x, doy_table, month_table):
    B, H = x.shape
    V, D = doy_table.shape
    N = B * H
    info = plsc.get_sparse_core_info()
    NC, NS = info.num_cores, info.num_subcores
    NW = NC * NS
    C = 128
    Vp = -(-V // (8 * NS)) * (8 * NS)
    table_p = jnp.pad(doy_table, ((0, Vp - V), (0, 0)))
    xw = x.reshape(NW, (N // NW) // C, C).astype(jnp.int32)
    out = _build_gather(N, Vp, D, NC, NS, C)(table_p, xw)
    return out.reshape(B, H, D)

# --- scband reference (transcript-rebuilt; emitter-appended) ---
"""Pipeline reference for scband-temporal-embedding-60473139527910 (READ-ONLY COPY).

The authoritative reference and input builder live on the scoring server;
editing this copy changes nothing except your own understanding.
"""

import jax, jax.numpy as jnp
import numpy as np
import math

D_MODEL = 128
DOY_SIZE = 366
MONTH_SIZE = 12
BATCH = 4096
HIST = 200


def sincos_table(num_embeddings, embedding_dim):
    position = np.arange(0, num_embeddings, dtype=np.float32)[:, None]
    div_term = np.exp(np.arange(0, embedding_dim, 2, dtype=np.float32) * -(math.log(10000.0) / embedding_dim))
    w = np.zeros((num_embeddings, embedding_dim), dtype=np.float32)
    w[:, 0::2] = np.sin(position * div_term)
    w[:, 1::2] = np.cos(position * div_term)
    return jnp.asarray(w)


def normalize_doy(x):
    # original: while x.max() > 365: x = x - 365 * (x > 365)
    # inputs are bounded in [0, 365], so a small fixed number of passes is exact
    for _ in range(3):
        x = x - 365 * (x > 365).astype(x.dtype)
    return x


def doy_to_month(doy):
    month_days = [31, 28, 31, 30, 31, 30, 31, 31, 30, 31, 30, 31]
    month = jnp.zeros_like(doy)
    cumulative_days = 0
    for i, days in enumerate(month_days):
        cumulative_days += days
        month = month + (doy <= cumulative_days).astype(doy.dtype) * (month == 0).astype(doy.dtype) * (i + 1)
    return month - 1


def setup_inputs(seed: int = 0) -> dict:
    key = jax.random.key(seed)
    x = jax.random.randint(key, (BATCH, HIST), 0, 366, dtype=jnp.int32)
    doy_table = sincos_table(DOY_SIZE, D_MODEL)
    month_table = sincos_table(MONTH_SIZE, D_MODEL)
    return {"x": x, "doy_table": doy_table, "month_table": month_table}


def reference(x, doy_table, month_table):
    x = x.astype(jnp.int32)
    doy_x = jnp.take(doy_table, x, axis=0)
    normalized_doy = normalize_doy(x)
    month = doy_to_month(normalized_doy)
    month_embedding = jnp.take(month_table, month, axis=0)  # computed but unused, as in original
    return doy_x

if __name__ == "__main__":
    import jax
    _d = setup_inputs()
    print(jax.jit(kernel)(*tuple(_d.values())))

</pallas_src>

<mosaic_0001>
#map = affine_map<(d0, d1) -> (0, 0)>
#map1 = affine_map<(d0, d1) -> (0, 0, 0)>
#map2 = affine_map<(d0, d1) -> (0, 0, 0, 0)>
module attributes {stable_mosaic.version = 14 : i64} {
  func.func @k(%arg0: i32, %arg1: i32, %arg2: memref<384x128xf32, #tpu.memory_space<hbm>>, %arg3: memref<32x200x128xi32, #tpu.memory_space<hbm>>, %arg4: memref<32x200x128x128xf32, #tpu.memory_space<hbm>>, %arg5: memref<200x128xi32, #tpu.memory_space<vmem>>, %arg6: memref<4x128x128xf32, #tpu.memory_space<vmem>>, %arg7: memref<384x128xf32, #tpu.memory_space<vmem_shared>>, %arg8: memref<!tpu.dma_semaphore, #tpu.memory_space<semaphore_mem>>, %arg9: memref<!tpu.dma_semaphore, #tpu.memory_space<semaphore_mem>>, %arg10: memref<!tpu.dma_semaphore, #tpu.memory_space<semaphore_mem>>, %arg11: memref<!tpu.dma_semaphore, #tpu.memory_space<semaphore_mem>>, %arg12: memref<!tpu.dma_semaphore, #tpu.memory_space<semaphore_mem>>, %arg13: memref<!tpu.dma_semaphore, #tpu.memory_space<semaphore_mem>>, %arg14: memref<!tpu.dma_semaphore, #tpu.memory_space<semaphore_mem>>, %arg15: memref<!tpu.dma_semaphore, #tpu.memory_space<semaphore_mem>>) attributes {dimension_semantics = [#tpu.dimension_semantics<core_parallel>, #tpu.dimension_semantics<subcore_parallel>], iteration_bounds = array<i64: 2, 16>, scalar_prefetch = 0 : i64, scratch_operands = 11 : i64, tpu.core_type = #tpu.core_type<sc_vector_subcore>, window_params = [{transform_indices = #map}, {transform_indices = #map1}, {transform_indices = #map2}]} {
    %mul3A = arith.constant 2 : i32
    %mul3A_0 = arith.muli %arg1, %mul3A : i32
    %add3A = arith.addi %mul3A_0, %arg0 : i32
    %mul3A_1 = arith.constant 24 : i32
    %mul3A_2 = arith.muli %arg1, %mul3A_1 : i32
    "tpu.region"() ({
      %run_scoped3A = tpu.sem_alloc : memref<!tpu.dma_semaphore, #tpu.memory_space<semaphore_mem>>
      %dma_start3A_246 = arith.constant 0 : i32
      %dma_start3A_247 = tpu.memref_slice %arg7[%mul3A_2, %dma_start3A_246] : memref<384x128xf32, #tpu.memory_space<vmem_shared>> -> memref<24x128xf32, #tpu.memory_space<vmem_shared>>
      %dma_start3A_248 = arith.constant 0 : i32
      %dma_start3A_249 = tpu.memref_slice %arg2[%mul3A_2, %dma_start3A_248] : memref<384x128xf32, #tpu.memory_space<hbm>> -> memref<24x128xf32, #tpu.memory_space<hbm>>
      tpu.enqueue_dma source(%dma_start3A_249 : memref<24x128xf32, #tpu.memory_space<hbm>>) target(%dma_start3A_247 : memref<24x128xf32, #tpu.memory_space<vmem_shared>>) target_semaphore(%run_scoped3A : memref<!tpu.dma_semaphore, #tpu.memory_space<semaphore_mem>>)
      %dma_wait3A_250 = arith.constant 0 : i32
      %dma_wait3A_251 = tpu.memref_slice %arg7[%mul3A_2, %dma_wait3A_250] : memref<384x128xf32, #tpu.memory_space<vmem_shared>> -> memref<24x128xf32, #tpu.memory_space<vmem_shared>>
      %dma_wait3A_252 = arith.constant 0 : i32
      %dma_wait3A_253 = tpu.memref_slice %arg2[%mul3A_2, %dma_wait3A_252] : memref<384x128xf32, #tpu.memory_space<hbm>> -> memref<24x128xf32, #tpu.memory_space<hbm>>
      tpu.wait_dma2 semaphore(%run_scoped3A : memref<!tpu.dma_semaphore, #tpu.memory_space<semaphore_mem>>) src(%dma_wait3A_253 : memref<24x128xf32, #tpu.memory_space<hbm>>) dst(%dma_wait3A_251 : memref<24x128xf32, #tpu.memory_space<vmem_shared>>)
      tpu.yield
    }) : () -> ()
    "tpu.region"() ({
      %run_scoped3A = tpu.sem_alloc : memref<!tpu.dma_semaphore, #tpu.memory_space<semaphore_mem>>
      %dma_start3A_246 = arith.constant 0 : i32
      %dma_start3A_247 = arith.constant 0 : i32
      %dma_start3A_248 = tpu.memref_slice %arg5[%dma_start3A_246, %dma_start3A_247] : memref<200x128xi32, #tpu.memory_space<vmem>> -> memref<8x128xi32, #tpu.memory_space<vmem>>
      %dma_start3A_249 = arith.constant 0 : i32
      %dma_start3A_250 = arith.constant 0 : i32
      %dma_start3A_251 = tpu.memref_slice %arg3[%add3A, %dma_start3A_249, %dma_start3A_250] : memref<32x200x128xi32, #tpu.memory_space<hbm>> -> memref<1x8x128xi32, #tpu.memory_space<hbm>>
      %dma_start3A_252 = tpu.memref_squeeze %dma_start3A_251 : memref<1x8x128xi32, #tpu.memory_space<hbm>> -> memref<8x128xi32, #tpu.memory_space<hbm>>
      %dma_start3A_253 = arith.constant 0 : i32
      %dma_start3A_254 = arith.constant 0 : i32
      %dma_start3A_255 = tpu.memref_slice %arg5[%dma_start3A_253, %dma_start3A_254] : memref<200x128xi32, #tpu.memory_space<vmem>> -> memref<8x128xi32, #tpu.memory_space<vmem>>
      %dma_start3A_256 = arith.constant 0 : i32
      %dma_start3A_257 = arith.constant 0 : i32
      %dma_start3A_258 = tpu.memref_slice %arg3[%add3A, %dma_start3A_256, %dma_start3A_257] : memref<32x200x128xi32, #tpu.memory_space<hbm>> -> memref<1x8x128xi32, #tpu.memory_space<hbm>>
      %dma_start3A_259 = tpu.memref_squeeze %dma_start3A_258 : memref<1x8x128xi32, #tpu.memory_space<hbm>> -> memref<8x128xi32, #tpu.memory_space<hbm>>
      tpu.enqueue_dma source(%dma_start3A_259 : memref<8x128xi32, #tpu.memory_space<hbm>>) target(%dma_start3A_255 : memref<8x128xi32, #tpu.memory_space<vmem>>) target_semaphore(%run_scoped3A : memref<!tpu.dma_semaphore, #tpu.memory_space<semaphore_mem>>)
      %dma_wait3A_260 = arith.constant 0 : i32
      %dma_wait3A_261 = arith.constant 0 : i32
      %dma_wait3A_262 = tpu.memref_slice %arg5[%dma_wait3A_260, %dma_wait3A_261] : memref<200x128xi32, #tpu.memory_space<vmem>> -> memref<8x128xi32, #tpu.memory_space<vmem>>
      %dma_wait3A_263 = arith.constant 0 : i32
      %dma_wait3A_264 = arith.constant 0 : i32
      %dma_wait3A_265 = tpu.memref_slice %arg3[%add3A, %dma_wait3A_263, %dma_wait3A_264] : memref<32x200x128xi32, #tpu.memory_space<hbm>> -> memref<1x8x128xi32, #tpu.memory_space<hbm>>
      %dma_wait3A_266 = tpu.memref_squeeze %dma_wait3A_265 : memref<1x8x128xi32, #tpu.memory_space<hbm>> -> memref<8x128xi32, #tpu.memory_space<hbm>>
      %dma_wait3A_267 = arith.constant 0 : i32
      %dma_wait3A_268 = arith.constant 0 : i32
      %dma_wait3A_269 = tpu.memref_slice %arg5[%dma_wait3A_267, %dma_wait3A_268] : memref<200x128xi32, #tpu.memory_space<vmem>> -> memref<8x128xi32, #tpu.memory_space<vmem>>
      %dma_wait3A_270 = arith.constant 0 : i32
      %dma_wait3A_271 = arith.constant 0 : i32
      %dma_wait3A_272 = tpu.memref_slice %arg3[%add3A, %dma_wait3A_270, %dma_wait3A_271] : memref<32x200x128xi32, #tpu.memory_space<hbm>> -> memref<1x8x128xi32, #tpu.memory_space<hbm>>
      %dma_wait3A_273 = tpu.memref_squeeze %dma_wait3A_272 : memref<1x8x128xi32, #tpu.memory_space<hbm>> -> memref<8x128xi32, #tpu.memory_space<hbm>>
      tpu.wait_dma2 semaphore(%run_scoped3A : memref<!tpu.dma_semaphore, #tpu.memory_space<semaphore_mem>>) src(%dma_wait3A_273 : memref<8x128xi32, #tpu.memory_space<hbm>>) dst(%dma_wait3A_269 : memref<8x128xi32, #tpu.memory_space<vmem>>)
      tpu.yield
    }) : () -> ()
    %barrier3A = arith.constant 0 : index
    tpu.barrier barrier_id(%barrier3A)
    %dma_start3A = arith.constant 0 : i32
    %dma_start3A_3 = arith.constant 0 : i32
    %dma_start3A_4 = arith.constant 0 : i32
    %dma_start3A_5 = arith.constant 0 : i32
    %dma_start3A_6 = tpu.memref_slice %arg6[%dma_start3A_3, %dma_start3A_4, %dma_start3A_5] : memref<4x128x128xf32, #tpu.memory_space<vmem>> -> memref<1x128x128xf32, #tpu.memory_space<vmem>>
    %dma_start3A_7 = tpu.memref_squeeze %dma_start3A_6 : memref<1x128x128xf32, #tpu.memory_space<vmem>> -> memref<128x128xf32, #tpu.memory_space<vmem>>
    %dma_start3A_8 = arith.constant 0 : i32
    %dma_start3A_9 = tpu.memref_slice %arg5[%dma_start3A, %dma_start3A_8] : memref<200x128xi32, #tpu.memory_space<vmem>> -> memref<1x128xi32, #tpu.memory_space<vmem>>
    %dma_start3A_10 = tpu.memref_squeeze %dma_start3A_9 : memref<1x128xi32, #tpu.memory_space<vmem>> -> memref<128xi32, #tpu.memory_space<vmem>>
    %dma_start3A_11 = arith.constant 0 : i32
    %dma_start3A_12 = arith.constant 0 : i32
    %dma_start3A_13 = tpu.memref_slice %arg7[%dma_start3A_11, %dma_start3A_12] : memref<384x128xf32, #tpu.memory_space<vmem_shared>> -> memref<384x128xf32, #tpu.memory_space<vmem_shared>>
    tpu.enqueue_indirect_dma source(%dma_start3A_13 : memref<384x128xf32, #tpu.memory_space<vmem_shared>>) target(%dma_start3A_7 : memref<128x128xf32, #tpu.memory_space<vmem>>) offsets(%dma_start3A_10 : memref<128xi32, #tpu.memory_space<vmem>>) semaphore(%arg8 : memref<!tpu.dma_semaphore, #tpu.memory_space<semaphore_mem>>)
    %dma_start3A_14 = arith.constant 1 : i32
    %dma_start3A_15 = arith.constant 1 : i32
    %dma_start3A_16 = arith.constant 0 : i32
    %dma_start3A_17 = arith.constant 0 : i32
    %dma_start3A_18 = tpu.memref_slice %arg6[%dma_start3A_15, %dma_start3A_16, %dma_start3A_17] : memref<4x128x128xf32, #tpu.memory_space<vmem>> -> memref<1x128x128xf32, #tpu.memory_space<vmem>>
    %dma_start3A_19 = tpu.memref_squeeze %dma_start3A_18 : memref<1x128x128xf32, #tpu.memory_space<vmem>> -> memref<128x128xf32, #tpu.memory_space<vmem>>
    %dma_start3A_20 = arith.constant 0 : i32
    %dma_start3A_21 = tpu.memref_slice %arg5[%dma_start3A_14, %dma_start3A_20] : memref<200x128xi32, #tpu.memory_space<vmem>> -> memref<1x128xi32, #tpu.memory_space<vmem>>
    %dma_start3A_22 = tpu.memref_squeeze %dma_start3A_21 : memref<1x128xi32, #tpu.memory_space<vmem>> -> memref<128xi32, #tpu.memory_space<vmem>>
    %dma_start3A_23 = arith.constant 0 : i32
    %dma_start3A_24 = arith.constant 0 : i32
    %dma_start3A_25 = tpu.memref_slice %arg7[%dma_start3A_23, %dma_start3A_24] : memref<384x128xf32, #tpu.memory_space<vmem_shared>> -> memref<384x128xf32, #tpu.memory_space<vmem_shared>>
    tpu.enqueue_indirect_dma source(%dma_start3A_25 : memref<384x128xf32, #tpu.memory_space<vmem_shared>>) target(%dma_start3A_19 : memref<128x128xf32, #tpu.memory_space<vmem>>) offsets(%dma_start3A_22 : memref<128xi32, #tpu.memory_space<vmem>>) semaphore(%arg9 : memref<!tpu.dma_semaphore, #tpu.memory_space<semaphore_mem>>)
    %dma_start3A_26 = arith.constant 2 : i32
    %dma_start3A_27 = arith.constant 2 : i32
    %dma_start3A_28 = arith.constant 0 : i32
    %dma_start3A_29 = arith.constant 0 : i32
    %dma_start3A_30 = tpu.memref_slice %arg6[%dma_start3A_27, %dma_start3A_28, %dma_start3A_29] : memref<4x128x128xf32, #tpu.memory_space<vmem>> -> memref<1x128x128xf32, #tpu.memory_space<vmem>>
    %dma_start3A_31 = tpu.memref_squeeze %dma_start3A_30 : memref<1x128x128xf32, #tpu.memory_space<vmem>> -> memref<128x128xf32, #tpu.memory_space<vmem>>
    %dma_start3A_32 = arith.constant 0 : i32
    %dma_start3A_33 = tpu.memref_slice %arg5[%dma_start3A_26, %dma_start3A_32] : memref<200x128xi32, #tpu.memory_space<vmem>> -> memref<1x128xi32, #tpu.memory_space<vmem>>
    %dma_start3A_34 = tpu.memref_squeeze %dma_start3A_33 : memref<1x128xi32, #tpu.memory_space<vmem>> -> memref<128xi32, #tpu.memory_space<vmem>>
    %dma_start3A_35 = arith.constant 0 : i32
    %dma_start3A_36 = arith.constant 0 : i32
    %dma_start3A_37 = tpu.memref_slice %arg7[%dma_start3A_35, %dma_start3A_36] : memref<384x128xf32, #tpu.memory_space<vmem_shared>> -> memref<384x128xf32, #tpu.memory_space<vmem_shared>>
    tpu.enqueue_indirect_dma source(%dma_start3A_37 : memref<384x128xf32, #tpu.memory_space<vmem_shared>>) target(%dma_start3A_31 : memref<128x128xf32, #tpu.memory_space<vmem>>) offsets(%dma_start3A_34 : memref<128xi32, #tpu.memory_space<vmem>>) semaphore(%arg10 : memref<!tpu.dma_semaphore, #tpu.memory_space<semaphore_mem>>)
    %dma_start3A_38 = arith.constant 3 : i32
    %dma_start3A_39 = arith.constant 3 : i32
    %dma_start3A_40 = arith.constant 0 : i32
    %dma_start3A_41 = arith.constant 0 : i32
    %dma_start3A_42 = tpu.memref_slice %arg6[%dma_start3A_39, %dma_start3A_40, %dma_start3A_41] : memref<4x128x128xf32, #tpu.memory_space<vmem>> -> memref<1x128x128xf32, #tpu.memory_space<vmem>>
    %dma_start3A_43 = tpu.memref_squeeze %dma_start3A_42 : memref<1x128x128xf32, #tpu.memory_space<vmem>> -> memref<128x128xf32, #tpu.memory_space<vmem>>
    %dma_start3A_44 = arith.constant 0 : i32
    %dma_start3A_45 = tpu.memref_slice %arg5[%dma_start3A_38, %dma_start3A_44] : memref<200x128xi32, #tpu.memory_space<vmem>> -> memref<1x128xi32, #tpu.memory_space<vmem>>
    %dma_start3A_46 = tpu.memref_squeeze %dma_start3A_45 : memref<1x128xi32, #tpu.memory_space<vmem>> -> memref<128xi32, #tpu.memory_space<vmem>>
    %dma_start3A_47 = arith.constant 0 : i32
    %dma_start3A_48 = arith.constant 0 : i32
    %dma_start3A_49 = tpu.memref_slice %arg7[%dma_start3A_47, %dma_start3A_48] : memref<384x128xf32, #tpu.memory_space<vmem_shared>> -> memref<384x128xf32, #tpu.memory_space<vmem_shared>>
    tpu.enqueue_indirect_dma source(%dma_start3A_49 : memref<384x128xf32, #tpu.memory_space<vmem_shared>>) target(%dma_start3A_43 : memref<128x128xf32, #tpu.memory_space<vmem>>) offsets(%dma_start3A_46 : memref<128xi32, #tpu.memory_space<vmem>>) semaphore(%arg11 : memref<!tpu.dma_semaphore, #tpu.memory_space<semaphore_mem>>)
    "tpu.region"() ({
      %run_scoped3A = tpu.sem_alloc : memref<!tpu.dma_semaphore, #tpu.memory_space<semaphore_mem>>
      %dma_start3A_246 = arith.constant 8 : i32
      %dma_start3A_247 = arith.constant 0 : i32
      %dma_start3A_248 = tpu.memref_slice %arg5[%dma_start3A_246, %dma_start3A_247] : memref<200x128xi32, #tpu.memory_space<vmem>> -> memref<192x128xi32, #tpu.memory_space<vmem>>
      %dma_start3A_249 = arith.constant 8 : i32
      %dma_start3A_250 = arith.constant 0 : i32
      %dma_start3A_251 = tpu.memref_slice %arg3[%add3A, %dma_start3A_249, %dma_start3A_250] : memref<32x200x128xi32, #tpu.memory_space<hbm>> -> memref<1x192x128xi32, #tpu.memory_space<hbm>>
      %dma_start3A_252 = tpu.memref_squeeze %dma_start3A_251 : memref<1x192x128xi32, #tpu.memory_space<hbm>> -> memref<192x128xi32, #tpu.memory_space<hbm>>
      %dma_start3A_253 = arith.constant 8 : i32
      %dma_start3A_254 = arith.constant 0 : i32
      %dma_start3A_255 = tpu.memref_slice %arg5[%dma_start3A_253, %dma_start3A_254] : memref<200x128xi32, #tpu.memory_space<vmem>> -> memref<192x128xi32, #tpu.memory_space<vmem>>
      %dma_start3A_256 = arith.constant 8 : i32
      %dma_start3A_257 = arith.constant 0 : i32
      %dma_start3A_258 = tpu.memref_slice %arg3[%add3A, %dma_start3A_256, %dma_start3A_257] : memref<32x200x128xi32, #tpu.memory_space<hbm>> -> memref<1x192x128xi32, #tpu.memory_space<hbm>>
      %dma_start3A_259 = tpu.memref_squeeze %dma_start3A_258 : memref<1x192x128xi32, #tpu.memory_space<hbm>> -> memref<192x128xi32, #tpu.memory_space<hbm>>
      tpu.enqueue_dma source(%dma_start3A_259 : memref<192x128xi32, #tpu.memory_space<hbm>>) target(%dma_start3A_255 : memref<192x128xi32, #tpu.memory_space<vmem>>) target_semaphore(%run_scoped3A : memref<!tpu.dma_semaphore, #tpu.memory_space<semaphore_mem>>)
      %dma_wait3A_260 = arith.constant 8 : i32
      %dma_wait3A_261 = arith.constant 0 : i32
      %dma_wait3A_262 = tpu.memref_slice %arg5[%dma_wait3A_260, %dma_wait3A_261] : memref<200x128xi32, #tpu.memory_space<vmem>> -> memref<192x128xi32, #tpu.memory_space<vmem>>
      %dma_wait3A_263 = arith.constant 8 : i32
      %dma_wait3A_264 = arith.constant 0 : i32
      %dma_wait3A_265 = tpu.memref_slice %arg3[%add3A, %dma_wait3A_263, %dma_wait3A_264] : memref<32x200x128xi32, #tpu.memory_space<hbm>> -> memref<1x192x128xi32, #tpu.memory_space<hbm>>
      %dma_wait3A_266 = tpu.memref_squeeze %dma_wait3A_265 : memref<1x192x128xi32, #tpu.memory_space<hbm>> -> memref<192x128xi32, #tpu.memory_space<hbm>>
      %dma_wait3A_267 = arith.constant 8 : i32
      %dma_wait3A_268 = arith.constant 0 : i32
      %dma_wait3A_269 = tpu.memref_slice %arg5[%dma_wait3A_267, %dma_wait3A_268] : memref<200x128xi32, #tpu.memory_space<vmem>> -> memref<192x128xi32, #tpu.memory_space<vmem>>
      %dma_wait3A_270 = arith.constant 8 : i32
      %dma_wait3A_271 = arith.constant 0 : i32
      %dma_wait3A_272 = tpu.memref_slice %arg3[%add3A, %dma_wait3A_270, %dma_wait3A_271] : memref<32x200x128xi32, #tpu.memory_space<hbm>> -> memref<1x192x128xi32, #tpu.memory_space<hbm>>
      %dma_wait3A_273 = tpu.memref_squeeze %dma_wait3A_272 : memref<1x192x128xi32, #tpu.memory_space<hbm>> -> memref<192x128xi32, #tpu.memory_space<hbm>>
      tpu.wait_dma2 semaphore(%run_scoped3A : memref<!tpu.dma_semaphore, #tpu.memory_space<semaphore_mem>>) src(%dma_wait3A_273 : memref<192x128xi32, #tpu.memory_space<hbm>>) dst(%dma_wait3A_269 : memref<192x128xi32, #tpu.memory_space<vmem>>)
      tpu.yield
    }) : () -> ()
    %scan3A = arith.constant 0 : i32
    %scan3A_50 = arith.constant 0 : i32
    %scan3A_51 = arith.constant 49 : i32
    %scan3A_52 = arith.addi %scan3A_50, %scan3A_51 : i32
    %scan3A_53 = arith.constant 1 : i32
    scf.for %scan3A_246 = %scan3A_50 to %scan3A_52 step %scan3A_53  : i32 {
      %mul3A_247 = arith.constant 4 : i32
      %mul3A_248 = arith.muli %mul3A_247, %scan3A_246 : i32
      %add3A_249 = arith.constant 0 : i32
      %add3A_250 = arith.addi %mul3A_248, %add3A_249 : i32
      %dma_wait3A_251 = arith.constant 0 : i32
      %dma_wait3A_252 = arith.constant 0 : i32
      %dma_wait3A_253 = arith.constant 0 : i32
      %dma_wait3A_254 = tpu.memref_slice %arg6[%dma_wait3A_251, %dma_wait3A_252, %dma_wait3A_253] : memref<4x128x128xf32, #tpu.memory_space<vmem>> -> memref<1x128x128xf32, #tpu.memory_space<vmem>>
      %dma_wait3A_255 = tpu.memref_squeeze %dma_wait3A_254 : memref<1x128x128xf32, #tpu.memory_space<vmem>> -> memref<128x128xf32, #tpu.memory_space<vmem>>
      %dma_wait3A_256 = arith.constant 0 : i32
      %dma_wait3A_257 = tpu.memref_slice %arg5[%add3A_250, %dma_wait3A_256] : memref<200x128xi32, #tpu.memory_space<vmem>> -> memref<1x128xi32, #tpu.memory_space<vmem>>
      %dma_wait3A_258 = tpu.memref_squeeze %dma_wait3A_257 : memref<1x128xi32, #tpu.memory_space<vmem>> -> memref<128xi32, #tpu.memory_space<vmem>>
      %dma_wait3A_259 = arith.constant 0 : i32
      %dma_wait3A_260 = arith.constant 0 : i32
      %dma_wait3A_261 = tpu.memref_slice %arg7[%dma_wait3A_259, %dma_wait3A_260] : memref<384x128xf32, #tpu.memory_space<vmem_shared>> -> memref<384x128xf32, #tpu.memory_space<vmem_shared>>
      tpu.wait_indirect_dma semaphore(%arg8 : memref<!tpu.dma_semaphore, #tpu.memory_space<semaphore_mem>>) src(%dma_wait3A_261 : memref<384x128xf32, #tpu.memory_space<vmem_shared>>) dst(%dma_wait3A_255 : memref<128x128xf32, #tpu.memory_space<vmem>>)
      %dma_start3A_262 = arith.constant 0 : i32
      %dma_start3A_263 = arith.constant 0 : i32
      %dma_start3A_264 = arith.constant 0 : i32
      %dma_start3A_265 = tpu.memref_slice %arg6[%dma_start3A_262, %dma_start3A_263, %dma_start3A_264] : memref<4x128x128xf32, #tpu.memory_space<vmem>> -> memref<1x128x128xf32, #tpu.memory_space<vmem>>
      %dma_start3A_266 = tpu.memref_squeeze %dma_start3A_265 : memref<1x128x128xf32, #tpu.memory_space<vmem>> -> memref<128x128xf32, #tpu.memory_space<vmem>>
      %dma_start3A_267 = arith.constant 0 : i32
      %dma_start3A_268 = arith.constant 0 : i32
      %dma_start3A_269 = tpu.memref_slice %arg4[%add3A, %add3A_250, %dma_start3A_267, %dma_start3A_268] : memref<32x200x128x128xf32, #tpu.memory_space<hbm>> -> memref<1x1x128x128xf32, #tpu.memory_space<hbm>>
      %dma_start3A_270 = tpu.memref_squeeze %dma_start3A_269 : memref<1x1x128x128xf32, #tpu.memory_space<hbm>> -> memref<128x128xf32, #tpu.memory_space<hbm>>
      %dma_start3A_271 = arith.constant 0 : i32
      %dma_start3A_272 = arith.constant 0 : i32
      %dma_start3A_273 = tpu.memref_slice %arg4[%add3A, %add3A_250, %dma_start3A_271, %dma_start3A_272] : memref<32x200x128x128xf32, #tpu.memory_space<hbm>> -> memref<1x1x128x128xf32, #tpu.memory_space<hbm>>
      %dma_start3A_274 = tpu.memref_squeeze %dma_start3A_273 : memref<1x1x128x128xf32, #tpu.memory_space<hbm>> -> memref<128x128xf32, #tpu.memory_space<hbm>>
      %dma_start3A_275 = arith.constant 0 : i32
      %dma_start3A_276 = arith.constant 0 : i32
      %dma_start3A_277 = tpu.memref_slice %arg6[%dma_start3A_262, %dma_start3A_275, %dma_start3A_276] : memref<4x128x128xf32, #tpu.memory_space<vmem>> -> memref<1x128x128xf32, #tpu.memory_space<vmem>>
      %dma_start3A_278 = tpu.memref_squeeze %dma_start3A_277 : memref<1x128x128xf32, #tpu.memory_space<vmem>> -> memref<128x128xf32, #tpu.memory_space<vmem>>
      tpu.enqueue_dma source(%dma_start3A_278 : memref<128x128xf32, #tpu.memory_space<vmem>>) target(%dma_start3A_274 : memref<128x128xf32, #tpu.memory_space<hbm>>) target_semaphore(%arg12 : memref<!tpu.dma_semaphore, #tpu.memory_space<semaphore_mem>>)
      %dma_wait3A_279 = arith.constant 0 : i32
      %dma_wait3A_280 = arith.constant 0 : i32
      %dma_wait3A_281 = arith.constant 0 : i32
      %dma_wait3A_282 = tpu.memref_slice %arg6[%dma_wait3A_279, %dma_wait3A_280, %dma_wait3A_281] : memref<4x128x128xf32, #tpu.memory_space<vmem>> -> memref<1x128x128xf32, #tpu.memory_space<vmem>>
      %dma_wait3A_283 = tpu.memref_squeeze %dma_wait3A_282 : memref<1x128x128xf32, #tpu.memory_space<vmem>> -> memref<128x128xf32, #tpu.memory_space<vmem>>
      %dma_wait3A_284 = arith.constant 0 : i32
      %dma_wait3A_285 = arith.constant 0 : i32
      %dma_wait3A_286 = tpu.memref_slice %arg4[%add3A, %add3A_250, %dma_wait3A_284, %dma_wait3A_285] : memref<32x200x128x128xf32, #tpu.memory_space<hbm>> -> memref<1x1x128x128xf32, #tpu.memory_space<hbm>>
      %dma_wait3A_287 = tpu.memref_squeeze %dma_wait3A_286 : memref<1x1x128x128xf32, #tpu.memory_space<hbm>> -> memref<128x128xf32, #tpu.memory_space<hbm>>
      %dma_wait3A_288 = arith.constant 0 : i32
      %dma_wait3A_289 = arith.constant 0 : i32
      %dma_wait3A_290 = tpu.memref_slice %arg4[%add3A, %add3A_250, %dma_wait3A_288, %dma_wait3A_289] : memref<32x200x128x128xf32, #tpu.memory_space<hbm>> -> memref<1x1x128x128xf32, #tpu.memory_space<hbm>>
      %dma_wait3A_291 = tpu.memref_squeeze %dma_wait3A_290 : memref<1x1x128x128xf32, #tpu.memory_space<hbm>> -> memref<128x128xf32, #tpu.memory_space<hbm>>
      %dma_wait3A_292 = arith.constant 0 : i32
      %dma_wait3A_293 = arith.constant 0 : i32
      %dma_wait3A_294 = tpu.memref_slice %arg6[%dma_wait3A_279, %dma_wait3A_292, %dma_wait3A_293] : memref<4x128x128xf32, #tpu.memory_space<vmem>> -> memref<1x128x128xf32, #tpu.memory_space<vmem>>
      %dma_wait3A_295 = tpu.memref_squeeze %dma_wait3A_294 : memref<1x128x128xf32, #tpu.memory_space<vmem>> -> memref<128x128xf32, #tpu.memory_space<vmem>>
      tpu.wait_dma2 semaphore(%arg12 : memref<!tpu.dma_semaphore, #tpu.memory_space<semaphore_mem>>) src(%dma_wait3A_295 : memref<128x128xf32, #tpu.memory_space<vmem>>) dst(%dma_wait3A_291 : memref<128x128xf32, #tpu.memory_space<hbm>>)
      %add3A_296 = arith.constant 4 : i32
      %add3A_297 = arith.addi %add3A_250, %add3A_296 : i32
      %dma_start3A_298 = arith.constant 0 : i32
      %dma_start3A_299 = arith.constant 0 : i32
      %dma_start3A_300 = arith.constant 0 : i32
      %dma_start3A_301 = tpu.memref_slice %arg6[%dma_start3A_298, %dma_start3A_299, %dma_start3A_300] : memref<4x128x128xf32, #tpu.memory_space<vmem>> -> memref<1x128x128xf32, #tpu.memory_space<vmem>>
      %dma_start3A_302 = tpu.memref_squeeze %dma_start3A_301 : memref<1x128x128xf32, #tpu.memory_space<vmem>> -> memref<128x128xf32, #tpu.memory_space<vmem>>
      %dma_start3A_303 = arith.constant 0 : i32
      %dma_start3A_304 = tpu.memref_slice %arg5[%add3A_297, %dma_start3A_303] : memref<200x128xi32, #tpu.memory_space<vmem>> -> memref<1x128xi32, #tpu.memory_space<vmem>>
      %dma_start3A_305 = tpu.memref_squeeze %dma_start3A_304 : memref<1x128xi32, #tpu.memory_space<vmem>> -> memref<128xi32, #tpu.memory_space<vmem>>
      %dma_start3A_306 = arith.constant 0 : i32
      %dma_start3A_307 = arith.constant 0 : i32
      %dma_start3A_308 = tpu.memref_slice %arg7[%dma_start3A_306, %dma_start3A_307] : memref<384x128xf32, #tpu.memory_space<vmem_shared>> -> memref<384x128xf32, #tpu.memory_space<vmem_shared>>
      tpu.enqueue_indirect_dma source(%dma_start3A_308 : memref<384x128xf32, #tpu.memory_space<vmem_shared>>) target(%dma_start3A_302 : memref<128x128xf32, #tpu.memory_space<vmem>>) offsets(%dma_start3A_305 : memref<128xi32, #tpu.memory_space<vmem>>) semaphore(%arg8 : memref<!tpu.dma_semaphore, #tpu.memory_space<semaphore_mem>>)
      %mul3A_309 = arith.constant 4 : i32
      %mul3A_310 = arith.muli %mul3A_309, %scan3A_246 : i32
      %add3A_311 = arith.constant 1 : i32
      %add3A_312 = arith.addi %mul3A_310, %add3A_311 : i32
      %dma_wait3A_313 = arith.constant 1 : i32
      %dma_wait3A_314 = arith.constant 0 : i32
      %dma_wait3A_315 = arith.constant 0 : i32
      %dma_wait3A_316 = tpu.memref_slice %arg6[%dma_wait3A_313, %dma_wait3A_314, %dma_wait3A_315] : memref<4x128x128xf32, #tpu.memory_space<vmem>> -> memref<1x128x128xf32, #tpu.memory_space<vmem>>
      %dma_wait3A_317 = tpu.memref_squeeze %dma_wait3A_316 : memref<1x128x128xf32, #tpu.memory_space<vmem>> -> memref<128x128xf32, #tpu.memory_space<vmem>>
      %dma_wait3A_318 = arith.constant 0 : i32
      %dma_wait3A_319 = tpu.memref_slice %arg5[%add3A_312, %dma_wait3A_318] : memref<200x128xi32, #tpu.memory_space<vmem>> -> memref<1x128xi32, #tpu.memory_space<vmem>>
      %dma_wait3A_320 = tpu.memref_squeeze %dma_wait3A_319 : memref<1x128xi32, #tpu.memory_space<vmem>> -> memref<128xi32, #tpu.memory_space<vmem>>
      %dma_wait3A_321 = arith.constant 0 : i32
      %dma_wait3A_322 = arith.constant 0 : i32
      %dma_wait3A_323 = tpu.memref_slice %arg7[%dma_wait3A_321, %dma_wait3A_322] : memref<384x128xf32, #tpu.memory_space<vmem_shared>> -> memref<384x128xf32, #tpu.memory_space<vmem_shared>>
      tpu.wait_indirect_dma semaphore(%arg9 : memref<!tpu.dma_semaphore, #tpu.memory_space<semaphore_mem>>) src(%dma_wait3A_323 : memref<384x128xf32, #tpu.memory_space<vmem_shared>>) dst(%dma_wait3A_317 : memref<128x128xf32, #tpu.memory_space<vmem>>)
      %dma_start3A_324 = arith.constant 1 : i32
      %dma_start3A_325 = arith.constant 0 : i32
      %dma_start3A_326 = arith.constant 0 : i32
      %dma_start3A_327 = tpu.memref_slice %arg6[%dma_start3A_324, %dma_start3A_325, %dma_start3A_326] : memref<4x128x128xf32, #tpu.memory_space<vmem>> -> memref<1x128x128xf32, #tpu.memory_space<vmem>>
      %dma_start3A_328 = tpu.memref_squeeze %dma_start3A_327 : memref<1x128x128xf32, #tpu.memory_space<vmem>> -> memref<128x128xf32, #tpu.memory_space<vmem>>
      %dma_start3A_329 = arith.constant 0 : i32
      %dma_start3A_330 = arith.constant 0 : i32
      %dma_start3A_331 = tpu.memref_slice %arg4[%add3A, %add3A_312, %dma_start3A_329, %dma_start3A_330] : memref<32x200x128x128xf32, #tpu.memory_space<hbm>> -> memref<1x1x128x128xf32, #tpu.memory_space<hbm>>
      %dma_start3A_332 = tpu.memref_squeeze %dma_start3A_331 : memref<1x1x128x128xf32, #tpu.memory_space<hbm>> -> memref<128x128xf32, #tpu.memory_space<hbm>>
      %dma_start3A_333 = arith.constant 0 : i32
      %dma_start3A_334 = arith.constant 0 : i32
      %dma_start3A_335 = tpu.memref_slice %arg4[%add3A, %add3A_312, %dma_start3A_333, %dma_start3A_334] : memref<32x200x128x128xf32, #tpu.memory_space<hbm>> -> memref<1x1x128x128xf32, #tpu.memory_space<hbm>>
      %dma_start3A_336 = tpu.memref_squeeze %dma_start3A_335 : memref<1x1x128x128xf32, #tpu.memory_space<hbm>> -> memref<128x128xf32, #tpu.memory_space<hbm>>
      %dma_start3A_337 = arith.constant 0 : i32
      %dma_start3A_338 = arith.constant 0 : i32
      %dma_start3A_339 = tpu.memref_slice %arg6[%dma_start3A_324, %dma_start3A_337, %dma_start3A_338] : memref<4x128x128xf32, #tpu.memory_space<vmem>> -> memref<1x128x128xf32, #tpu.memory_space<vmem>>
      %dma_start3A_340 = tpu.memref_squeeze %dma_start3A_339 : memref<1x128x128xf32, #tpu.memory_space<vmem>> -> memref<128x128xf32, #tpu.memory_space<vmem>>
      tpu.enqueue_dma source(%dma_start3A_340 : memref<128x128xf32, #tpu.memory_space<vmem>>) target(%dma_start3A_336 : memref<128x128xf32, #tpu.memory_space<hbm>>) target_semaphore(%arg13 : memref<!tpu.dma_semaphore, #tpu.memory_space<semaphore_mem>>)
      %dma_wait3A_341 = arith.constant 1 : i32
      %dma_wait3A_342 = arith.constant 0 : i32
      %dma_wait3A_343 = arith.constant 0 : i32
      %dma_wait3A_344 = tpu.memref_slice %arg6[%dma_wait3A_341, %dma_wait3A_342, %dma_wait3A_343] : memref<4x128x128xf32, #tpu.memory_space<vmem>> -> memref<1x128x128xf32, #tpu.memory_space<vmem>>
      %dma_wait3A_345 = tpu.memref_squeeze %dma_wait3A_344 : memref<1x128x128xf32, #tpu.memory_space<vmem>> -> memref<128x128xf32, #tpu.memory_space<vmem>>
      %dma_wait3A_346 = arith.constant 0 : i32
      %dma_wait3A_347 = arith.constant 0 : i32
      %dma_wait3A_348 = tpu.memref_slice %arg4[%add3A, %add3A_312, %dma_wait3A_346, %dma_wait3A_347] : memref<32x200x128x128xf32, #tpu.memory_space<hbm>> -> memref<1x1x128x128xf32, #tpu.memory_space<hbm>>
      %dma_wait3A_349 = tpu.memref_squeeze %dma_wait3A_348 : memref<1x1x128x128xf32, #tpu.memory_space<hbm>> -> memref<128x128xf32, #tpu.memory_space<hbm>>
      %dma_wait3A_350 = arith.constant 0 : i32
      %dma_wait3A_351 = arith.constant 0 : i32
      %dma_wait3A_352 = tpu.memref_slice %arg4[%add3A, %add3A_312, %dma_wait3A_350, %dma_wait3A_351] : memref<32x200x128x128xf32, #tpu.memory_space<hbm>> -> memref<1x1x128x128xf32, #tpu.memory_space<hbm>>
      %dma_wait3A_353 = tpu.memref_squeeze %dma_wait3A_352 : memref<1x1x128x128xf32, #tpu.memory_space<hbm>> -> memref<128x128xf32, #tpu.memory_space<hbm>>
      %dma_wait3A_354 = arith.constant 0 : i32
      %dma_wait3A_355 = arith.constant 0 : i32
      %dma_wait3A_356 = tpu.memref_slice %arg6[%dma_wait3A_341, %dma_wait3A_354, %dma_wait3A_355] : memref<4x128x128xf32, #tpu.memory_space<vmem>> -> memref<1x128x128xf32, #tpu.memory_space<vmem>>
      %dma_wait3A_357 = tpu.memref_squeeze %dma_wait3A_356 : memref<1x128x128xf32, #tpu.memory_space<vmem>> -> memref<128x128xf32, #tpu.memory_space<vmem>>
      tpu.wait_dma2 semaphore(%arg13 : memref<!tpu.dma_semaphore, #tpu.memory_space<semaphore_mem>>) src(%dma_wait3A_357 : memref<128x128xf32, #tpu.memory_space<vmem>>) dst(%dma_wait3A_353 : memref<128x128xf32, #tpu.memory_space<hbm>>)
      %add3A_358 = arith.constant 4 : i32
      %add3A_359 = arith.addi %add3A_312, %add3A_358 : i32
      %dma_start3A_360 = arith.constant 1 : i32
      %dma_start3A_361 = arith.constant 0 : i32
      %dma_start3A_362 = arith.constant 0 : i32
      %dma_start3A_363 = tpu.memref_slice %arg6[%dma_start3A_360, %dma_start3A_361, %dma_start3A_362] : memref<4x128x128xf32, #tpu.memory_space<vmem>> -> memref<1x128x128xf32, #tpu.memory_space<vmem>>
      %dma_start3A_364 = tpu.memref_squeeze %dma_start3A_363 : memref<1x128x128xf32, #tpu.memory_space<vmem>> -> memref<128x128xf32, #tpu.memory_space<vmem>>
      %dma_start3A_365 = arith.constant 0 : i32
      %dma_start3A_366 = tpu.memref_slice %arg5[%add3A_359, %dma_start3A_365] : memref<200x128xi32, #tpu.memory_space<vmem>> -> memref<1x128xi32, #tpu.memory_space<vmem>>
      %dma_start3A_367 = tpu.memref_squeeze %dma_start3A_366 : memref<1x128xi32, #tpu.memory_space<vmem>> -> memref<128xi32, #tpu.memory_space<vmem>>
      %dma_start3A_368 = arith.constant 0 : i32
      %dma_start3A_369 = arith.constant 0 : i32
      %dma_start3A_370 = tpu.memref_slice %arg7[%dma_start3A_368, %dma_start3A_369] : memref<384x128xf32, #tpu.memory_space<vmem_shared>> -> memref<384x128xf32, #tpu.memory_space<vmem_shared>>
      tpu.enqueue_indirect_dma source(%dma_start3A_370 : memref<384x128xf32, #tpu.memory_space<vmem_shared>>) target(%dma_start3A_364 : memref<128x128xf32, #tpu.memory_space<vmem>>) offsets(%dma_start3A_367 : memref<128xi32, #tpu.memory_space<vmem>>) semaphore(%arg9 : memref<!tpu.dma_semaphore, #tpu.memory_space<semaphore_mem>>)
      %mul3A_371 = arith.constant 4 : i32
      %mul3A_372 = arith.muli %mul3A_371, %scan3A_246 : i32
      %add3A_373 = arith.constant 2 : i32
      %add3A_374 = arith.addi %mul3A_372, %add3A_373 : i32
      %dma_wait3A_375 = arith.constant 2 : i32
      %dma_wait3A_376 = arith.constant 0 : i32
      %dma_wait3A_377 = arith.constant 0 : i32
      %dma_wait3A_378 = tpu.memref_slice %arg6[%dma_wait3A_375, %dma_wait3A_376, %dma_wait3A_377] : memref<4x128x128xf32, #tpu.memory_space<vmem>> -> memref<1x128x128xf32, #tpu.memory_space<vmem>>
      %dma_wait3A_379 = tpu.memref_squeeze %dma_wait3A_378 : memref<1x128x128xf32, #tpu.memory_space<vmem>> -> memref<128x128xf32, #tpu.memory_space<vmem>>
      %dma_wait3A_380 = arith.constant 0 : i32
      %dma_wait3A_381 = tpu.memref_slice %arg5[%add3A_374, %dma_wait3A_380] : memref<200x128xi32, #tpu.memory_space<vmem>> -> memref<1x128xi32, #tpu.memory_space<vmem>>
      %dma_wait3A_382 = tpu.memref_squeeze %dma_wait3A_381 : memref<1x128xi32, #tpu.memory_space<vmem>> -> memref<128xi32, #tpu.memory_space<vmem>>
      %dma_wait3A_383 = arith.constant 0 : i32
      %dma_wait3A_384 = arith.constant 0 : i32
      %dma_wait3A_385 = tpu.memref_slice %arg7[%dma_wait3A_383, %dma_wait3A_384] : memref<384x128xf32, #tpu.memory_space<vmem_shared>> -> memref<384x128xf32, #tpu.memory_space<vmem_shared>>
      tpu.wait_indirect_dma semaphore(%arg10 : memref<!tpu.dma_semaphore, #tpu.memory_space<semaphore_mem>>) src(%dma_wait3A_385 : memref<384x128xf32, #tpu.memory_space<vmem_shared>>) dst(%dma_wait3A_379 : memref<128x128xf32, #tpu.memory_space<vmem>>)
      %dma_start3A_386 = arith.constant 2 : i32
      %dma_start3A_387 = arith.constant 0 : i32
      %dma_start3A_388 = arith.constant 0 : i32
      %dma_start3A_389 = tpu.memref_slice %arg6[%dma_start3A_386, %dma_start3A_387, %dma_start3A_388] : memref<4x128x128xf32, #tpu.memory_space<vmem>> -> memref<1x128x128xf32, #tpu.memory_space<vmem>>
      %dma_start3A_390 = tpu.memref_squeeze %dma_start3A_389 : memref<1x128x128xf32, #tpu.memory_space<vmem>> -> memref<128x128xf32, #tpu.memory_space<vmem>>
      %dma_start3A_391 = arith.constant 0 : i32
      %dma_start3A_392 = arith.constant 0 : i32
      %dma_start3A_393 = tpu.memref_slice %arg4[%add3A, %add3A_374, %dma_start3A_391, %dma_start3A_392] : memref<32x200x128x128xf32, #tpu.memory_space<hbm>> -> memref<1x1x128x128xf32, #tpu.memory_space<hbm>>
      %dma_start3A_394 = tpu.memref_squeeze %dma_start3A_393 : memref<1x1x128x128xf32, #tpu.memory_space<hbm>> -> memref<128x128xf32, #tpu.memory_space<hbm>>
      %dma_start3A_395 = arith.constant 0 : i32
      %dma_start3A_396 = arith.constant 0 : i32
      %dma_start3A_397 = tpu.memref_slice %arg4[%add3A, %add3A_374, %dma_start3A_395, %dma_start3A_396] : memref<32x200x128x128xf32, #tpu.memory_space<hbm>> -> memref<1x1x128x128xf32, #tpu.memory_space<hbm>>
      %dma_start3A_398 = tpu.memref_squeeze %dma_start3A_397 : memref<1x1x128x128xf32, #tpu.memory_space<hbm>> -> memref<128x128xf32, #tpu.memory_space<hbm>>
      %dma_start3A_399 = arith.constant 0 : i32
      %dma_start3A_400 = arith.constant 0 : i32
      %dma_start3A_401 = tpu.memref_slice %arg6[%dma_start3A_386, %dma_start3A_399, %dma_start3A_400] : memref<4x128x128xf32, #tpu.memory_space<vmem>> -> memref<1x128x128xf32, #tpu.memory_space<vmem>>
      %dma_start3A_402 = tpu.memref_squeeze %dma_start3A_401 : memref<1x128x128xf32, #tpu.memory_space<vmem>> -> memref<128x128xf32, #tpu.memory_space<vmem>>
      tpu.enqueue_dma source(%dma_start3A_402 : memref<128x128xf32, #tpu.memory_space<vmem>>) target(%dma_start3A_398 : memref<128x128xf32, #tpu.memory_space<hbm>>) target_semaphore(%arg14 : memref<!tpu.dma_semaphore, #tpu.memory_space<semaphore_mem>>)
      %dma_wait3A_403 = arith.constant 2 : i32
      %dma_wait3A_404 = arith.constant 0 : i32
      %dma_wait3A_405 = arith.constant 0 : i32
      %dma_wait3A_406 = tpu.memref_slice %arg6[%dma_wait3A_403, %dma_wait3A_404, %dma_wait3A_405] : memref<4x128x128xf32, #tpu.memory_space<vmem>> -> memref<1x128x128xf32, #tpu.memory_space<vmem>>
      %dma_wait3A_407 = tpu.memref_squeeze %dma_wait3A_406 : memref<1x128x128xf32, #tpu.memory_space<vmem>> -> memref<128x128xf32, #tpu.memory_space<vmem>>
      %dma_wait3A_408 = arith.constant 0 : i32
      %dma_wait3A_409 = arith.constant 0 : i32
      %dma_wait3A_410 = tpu.memref_slice %arg4[%add3A, %add3A_374, %dma_wait3A_408, %dma_wait3A_409] : memref<32x200x128x128xf32, #tpu.memory_space<hbm>> -> memref<1x1x128x128xf32, #tpu.memory_space<hbm>>
      %dma_wait3A_411 = tpu.memref_squeeze %dma_wait3A_410 : memref<1x1x128x128xf32, #tpu.memory_space<hbm>> -> memref<128x128xf32, #tpu.memory_space<hbm>>
      %dma_wait3A_412 = arith.constant 0 : i32
      %dma_wait3A_413 = arith.constant 0 : i32
      %dma_wait3A_414 = tpu.memref_slice %arg4[%add3A, %add3A_374, %dma_wait3A_412, %dma_wait3A_413] : memref<32x200x128x128xf32, #tpu.memory_space<hbm>> -> memref<1x1x128x128xf32, #tpu.memory_space<hbm>>
      %dma_wait3A_415 = tpu.memref_squeeze %dma_wait3A_414 : memref<1x1x128x128xf32, #tpu.memory_space<hbm>> -> memref<128x128xf32, #tpu.memory_space<hbm>>
      %dma_wait3A_416 = arith.constant 0 : i32
      %dma_wait3A_417 = arith.constant 0 : i32
      %dma_wait3A_418 = tpu.memref_slice %arg6[%dma_wait3A_403, %dma_wait3A_416, %dma_wait3A_417] : memref<4x128x128xf32, #tpu.memory_space<vmem>> -> memref<1x128x128xf32, #tpu.memory_space<vmem>>
      %dma_wait3A_419 = tpu.memref_squeeze %dma_wait3A_418 : memref<1x128x128xf32, #tpu.memory_space<vmem>> -> memref<128x128xf32, #tpu.memory_space<vmem>>
      tpu.wait_dma2 semaphore(%arg14 : memref<!tpu.dma_semaphore, #tpu.memory_space<semaphore_mem>>) src(%dma_wait3A_419 : memref<128x128xf32, #tpu.memory_space<vmem>>) dst(%dma_wait3A_415 : memref<128x128xf32, #tpu.memory_space<hbm>>)
      %add3A_420 = arith.constant 4 : i32
      %add3A_421 = arith.addi %add3A_374, %add3A_420 : i32
      %dma_start3A_422 = arith.constant 2 : i32
      %dma_start3A_423 = arith.constant 0 : i32
      %dma_start3A_424 = arith.constant 0 : i32
      %dma_start3A_425 = tpu.memref_slice %arg6[%dma_start3A_422, %dma_start3A_423, %dma_start3A_424] : memref<4x128x128xf32, #tpu.memory_space<vmem>> -> memref<1x128x128xf32, #tpu.memory_space<vmem>>
      %dma_start3A_426 = tpu.memref_squeeze %dma_start3A_425 : memref<1x128x128xf32, #tpu.memory_space<vmem>> -> memref<128x128xf32, #tpu.memory_space<vmem>>
      %dma_start3A_427 = arith.constant 0 : i32
      %dma_start3A_428 = tpu.memref_slice %arg5[%add3A_421, %dma_start3A_427] : memref<200x128xi32, #tpu.memory_space<vmem>> -> memref<1x128xi32, #tpu.memory_space<vmem>>
      %dma_start3A_429 = tpu.memref_squeeze %dma_start3A_428 : memref<1x128xi32, #tpu.memory_space<vmem>> -> memref<128xi32, #tpu.memory_space<vmem>>
      %dma_start3A_430 = arith.constant 0 : i32
      %dma_start3A_431 = arith.constant 0 : i32
      %dma_start3A_432 = tpu.memref_slice %arg7[%dma_start3A_430, %dma_start3A_431] : memref<384x128xf32, #tpu.memory_space<vmem_shared>> -> memref<384x128xf32, #tpu.memory_space<vmem_shared>>
      tpu.enqueue_indirect_dma source(%dma_start3A_432 : memref<384x128xf32, #tpu.memory_space<vmem_shared>>) target(%dma_start3A_426 : memref<128x128xf32, #tpu.memory_space<vmem>>) offsets(%dma_start3A_429 : memref<128xi32, #tpu.memory_space<vmem>>) semaphore(%arg10 : memref<!tpu.dma_semaphore, #tpu.memory_space<semaphore_mem>>)
      %mul3A_433 = arith.constant 4 : i32
      %mul3A_434 = arith.muli %mul3A_433, %scan3A_246 : i32
      %add3A_435 = arith.constant 3 : i32
      %add3A_436 = arith.addi %mul3A_434, %add3A_435 : i32
      %dma_wait3A_437 = arith.constant 3 : i32
      %dma_wait3A_438 = arith.constant 0 : i32
      %dma_wait3A_439 = arith.constant 0 : i32
      %dma_wait3A_440 = tpu.memref_slice %arg6[%dma_wait3A_437, %dma_wait3A_438, %dma_wait3A_439] : memref<4x128x128xf32, #tpu.memory_space<vmem>> -> memref<1x128x128xf32, #tpu.memory_space<vmem>>
      %dma_wait3A_441 = tpu.memref_squeeze %dma_wait3A_440 : memref<1x128x128xf32, #tpu.memory_space<vmem>> -> memref<128x128xf32, #tpu.memory_space<vmem>>
      %dma_wait3A_442 = arith.constant 0 : i32
      %dma_wait3A_443 = tpu.memref_slice %arg5[%add3A_436, %dma_wait3A_442] : memref<200x128xi32, #tpu.memory_space<vmem>> -> memref<1x128xi32, #tpu.memory_space<vmem>>
      %dma_wait3A_444 = tpu.memref_squeeze %dma_wait3A_443 : memref<1x128xi32, #tpu.memory_space<vmem>> -> memref<128xi32, #tpu.memory_space<vmem>>
      %dma_wait3A_445 = arith.constant 0 : i32
      %dma_wait3A_446 = arith.constant 0 : i32
      %dma_wait3A_447 = tpu.memref_slice %arg7[%dma_wait3A_445, %dma_wait3A_446] : memref<384x128xf32, #tpu.memory_space<vmem_shared>> -> memref<384x128xf32, #tpu.memory_space<vmem_shared>>
      tpu.wait_indirect_dma semaphore(%arg11 : memref<!tpu.dma_semaphore, #tpu.memory_space<semaphore_mem>>) src(%dma_wait3A_447 : memref<384x128xf32, #tpu.memory_space<vmem_shared>>) dst(%dma_wait3A_441 : memref<128x128xf32, #tpu.memory_space<vmem>>)
      %dma_start3A_448 = arith.constant 3 : i32
      %dma_start3A_449 = arith.constant 0 : i32
      %dma_start3A_450 = arith.constant 0 : i32
      %dma_start3A_451 = tpu.memref_slice %arg6[%dma_start3A_448, %dma_start3A_449, %dma_start3A_450] : memref<4x128x128xf32, #tpu.memory_space<vmem>> -> memref<1x128x128xf32, #tpu.memory_space<vmem>>
      %dma_start3A_452 = tpu.memref_squeeze %dma_start3A_451 : memref<1x128x128xf32, #tpu.memory_space<vmem>> -> memref<128x128xf32, #tpu.memory_space<vmem>>
      %dma_start3A_453 = arith.constant 0 : i32
      %dma_start3A_454 = arith.constant 0 : i32
      %dma_start3A_455 = tpu.memref_slice %arg4[%add3A, %add3A_436, %dma_start3A_453, %dma_start3A_454] : memref<32x200x128x128xf32, #tpu.memory_space<hbm>> -> memref<1x1x128x128xf32, #tpu.memory_space<hbm>>
      %dma_start3A_456 = tpu.memref_squeeze %dma_start3A_455 : memref<1x1x128x128xf32, #tpu.memory_space<hbm>> -> memref<128x128xf32, #tpu.memory_space<hbm>>
      %dma_start3A_457 = arith.constant 0 : i32
      %dma_start3A_458 = arith.constant 0 : i32
      %dma_start3A_459 = tpu.memref_slice %arg4[%add3A, %add3A_436, %dma_start3A_457, %dma_start3A_458] : memref<32x200x128x128xf32, #tpu.memory_space<hbm>> -> memref<1x1x128x128xf32, #tpu.memory_space<hbm>>
      %dma_start3A_460 = tpu.memref_squeeze %dma_start3A_459 : memref<1x1x128x128xf32, #tpu.memory_space<hbm>> -> memref<128x128xf32, #tpu.memory_space<hbm>>
      %dma_start3A_461 = arith.constant 0 : i32
      %dma_start3A_462 = arith.constant 0 : i32
      %dma_start3A_463 = tpu.memref_slice %arg6[%dma_start3A_448, %dma_start3A_461, %dma_start3A_462] : memref<4x128x128xf32, #tpu.memory_space<vmem>> -> memref<1x128x128xf32, #tpu.memory_space<vmem>>
      %dma_start3A_464 = tpu.memref_squeeze %dma_start3A_463 : memref<1x128x128xf32, #tpu.memory_space<vmem>> -> memref<128x128xf32, #tpu.memory_space<vmem>>
      tpu.enqueue_dma source(%dma_start3A_464 : memref<128x128xf32, #tpu.memory_space<vmem>>) target(%dma_start3A_460 : memref<128x128xf32, #tpu.memory_space<hbm>>) target_semaphore(%arg15 : memref<!tpu.dma_semaphore, #tpu.memory_space<semaphore_mem>>)
      %dma_wait3A_465 = arith.constant 3 : i32
      %dma_wait3A_466 = arith.constant 0 : i32
      %dma_wait3A_467 = arith.constant 0 : i32
      %dma_wait3A_468 = tpu.memref_slice %arg6[%dma_wait3A_465, %dma_wait3A_466, %dma_wait3A_467] : memref<4x128x128xf32, #tpu.memory_space<vmem>> -> memref<1x128x128xf32, #tpu.memory_space<vmem>>
      %dma_wait3A_469 = tpu.memref_squeeze %dma_wait3A_468 : memref<1x128x128xf32, #tpu.memory_space<vmem>> -> memref<128x128xf32, #tpu.memory_space<vmem>>
      %dma_wait3A_470 = arith.constant 0 : i32
      %dma_wait3A_471 = arith.constant 0 : i32
      %dma_wait3A_472 = tpu.memref_slice %arg4[%add3A, %add3A_436, %dma_wait3A_470, %dma_wait3A_471] : memref<32x200x128x128xf32, #tpu.memory_space<hbm>> -> memref<1x1x128x128xf32, #tpu.memory_space<hbm>>
      %dma_wait3A_473 = tpu.memref_squeeze %dma_wait3A_472 : memref<1x1x128x128xf32, #tpu.memory_space<hbm>> -> memref<128x128xf32, #tpu.memory_space<hbm>>
      %dma_wait3A_474 = arith.constant 0 : i32
      %dma_wait3A_475 = arith.constant 0 : i32
      %dma_wait3A_476 = tpu.memref_slice %arg4[%add3A, %add3A_436, %dma_wait3A_474, %dma_wait3A_475] : memref<32x200x128x128xf32, #tpu.memory_space<hbm>> -> memref<1x1x128x128xf32, #tpu.memory_space<hbm>>
      %dma_wait3A_477 = tpu.memref_squeeze %dma_wait3A_476 : memref<1x1x128x128xf32, #tpu.memory_space<hbm>> -> memref<128x128xf32, #tpu.memory_space<hbm>>
      %dma_wait3A_478 = arith.constant 0 : i32
      %dma_wait3A_479 = arith.constant 0 : i32
      %dma_wait3A_480 = tpu.memref_slice %arg6[%dma_wait3A_465, %dma_wait3A_478, %dma_wait3A_479] : memref<4x128x128xf32, #tpu.memory_space<vmem>> -> memref<1x128x128xf32, #tpu.memory_space<vmem>>
      %dma_wait3A_481 = tpu.memref_squeeze %dma_wait3A_480 : memref<1x128x128xf32, #tpu.memory_space<vmem>> -> memref<128x128xf32, #tpu.memory_space<vmem>>
      tpu.wait_dma2 semaphore(%arg15 : memref<!tpu.dma_semaphore, #tpu.memory_space<semaphore_mem>>) src(%dma_wait3A_481 : memref<128x128xf32, #tpu.memory_space<vmem>>) dst(%dma_wait3A_477 : memref<128x128xf32, #tpu.memory_space<hbm>>)
      %add3A_482 = arith.constant 4 : i32
      %add3A_483 = arith.addi %add3A_436, %add3A_482 : i32
      %dma_start3A_484 = arith.constant 3 : i32
      %dma_start3A_485 = arith.constant 0 : i32
      %dma_start3A_486 = arith.constant 0 : i32
      %dma_start3A_487 = tpu.memref_slice %arg6[%dma_start3A_484, %dma_start3A_485, %dma_start3A_486] : memref<4x128x128xf32, #tpu.memory_space<vmem>> -> memref<1x128x128xf32, #tpu.memory_space<vmem>>
      %dma_start3A_488 = tpu.memref_squeeze %dma_start3A_487 : memref<1x128x128xf32, #tpu.memory_space<vmem>> -> memref<128x128xf32, #tpu.memory_space<vmem>>
      %dma_start3A_489 = arith.constant 0 : i32
      %dma_start3A_490 = tpu.memref_slice %arg5[%add3A_483, %dma_start3A_489] : memref<200x128xi32, #tpu.memory_space<vmem>> -> memref<1x128xi32, #tpu.memory_space<vmem>>
      %dma_start3A_491 = tpu.memref_squeeze %dma_start3A_490 : memref<1x128xi32, #tpu.memory_space<vmem>> -> memref<128xi32, #tpu.memory_space<vmem>>
      %dma_start3A_492 = arith.constant 0 : i32
      %dma_start3A_493 = arith.constant 0 : i32
      %dma_start3A_494 = tpu.memref_slice %arg7[%dma_start3A_492, %dma_start3A_493] : memref<384x128xf32, #tpu.memory_space<vmem_shared>> -> memref<384x128xf32, #tpu.memory_space<vmem_shared>>
      tpu.enqueue_indirect_dma source(%dma_start3A_494 : memref<384x128xf32, #tpu.memory_space<vmem_shared>>) target(%dma_start3A_488 : memref<128x128xf32, #tpu.memory_space<vmem>>) offsets(%dma_start3A_491 : memref<128xi32, #tpu.memory_space<vmem>>) semaphore(%arg11 : memref<!tpu.dma_semaphore, #tpu.memory_space<semaphore_mem>>)
    }
    %scan3A_54 = arith.constant 49 : i32
    %dma_wait3A = arith.constant 196 : i32
    %dma_wait3A_55 = arith.constant 0 : i32
    %dma_wait3A_56 = arith.constant 0 : i32
    %dma_wait3A_57 = arith.constant 0 : i32
    %dma_wait3A_58 = tpu.memref_slice %arg6[%dma_wait3A_55, %dma_wait3A_56, %dma_wait3A_57] : memref<4x128x128xf32, #tpu.memory_space<vmem>> -> memref<1x128x128xf32, #tpu.memory_space<vmem>>
    %dma_wait3A_59 = tpu.memref_squeeze %dma_wait3A_58 : memref<1x128x128xf32, #tpu.memory_space<vmem>> -> memref<128x128xf32, #tpu.memory_space<vmem>>
    %dma_wait3A_60 = arith.constant 0 : i32
    %dma_wait3A_61 = tpu.memref_slice %arg5[%dma_wait3A, %dma_wait3A_60] : memref<200x128xi32, #tpu.memory_space<vmem>> -> memref<1x128xi32, #tpu.memory_space<vmem>>
    %dma_wait3A_62 = tpu.memref_squeeze %dma_wait3A_61 : memref<1x128xi32, #tpu.memory_space<vmem>> -> memref<128xi32, #tpu.memory_space<vmem>>
    %dma_wait3A_63 = arith.constant 0 : i32
    %dma_wait3A_64 = arith.constant 0 : i32
    %dma_wait3A_65 = tpu.memref_slice %arg7[%dma_wait3A_63, %dma_wait3A_64] : memref<384x128xf32, #tpu.memory_space<vmem_shared>> -> memref<384x128xf32, #tpu.memory_space<vmem_shared>>
    tpu.wait_indirect_dma semaphore(%arg8 : memref<!tpu.dma_semaphore, #tpu.memory_space<semaphore_mem>>) src(%dma_wait3A_65 : memref<384x128xf32, #tpu.memory_space<vmem_shared>>) dst(%dma_wait3A_59 : memref<128x128xf32, #tpu.memory_space<vmem>>)
    %dma_start3A_66 = arith.constant 0 : i32
    %dma_start3A_67 = arith.constant 196 : i32
    %dma_start3A_68 = arith.constant 0 : i32
    %dma_start3A_69 = arith.constant 0 : i32
    %dma_start3A_70 = tpu.memref_slice %arg6[%dma_start3A_66, %dma_start3A_68, %dma_start3A_69] : memref<4x128x128xf32, #tpu.memory_space<vmem>> -> memref<1x128x128xf32, #tpu.memory_space<vmem>>
    %dma_start3A_71 = tpu.memref_squeeze %dma_start3A_70 : memref<1x128x128xf32, #tpu.memory_space<vmem>> -> memref<128x128xf32, #tpu.memory_space<vmem>>
    %dma_start3A_72 = arith.constant 0 : i32
    %dma_start3A_73 = arith.constant 0 : i32
    %dma_start3A_74 = tpu.memref_slice %arg4[%add3A, %dma_start3A_67, %dma_start3A_72, %dma_start3A_73] : memref<32x200x128x128xf32, #tpu.memory_space<hbm>> -> memref<1x1x128x128xf32, #tpu.memory_space<hbm>>
    %dma_start3A_75 = tpu.memref_squeeze %dma_start3A_74 : memref<1x1x128x128xf32, #tpu.memory_space<hbm>> -> memref<128x128xf32, #tpu.memory_space<hbm>>
    %dma_start3A_76 = arith.constant 0 : i32
    %dma_start3A_77 = arith.constant 0 : i32
    %dma_start3A_78 = tpu.memref_slice %arg4[%add3A, %dma_start3A_67, %dma_start3A_76, %dma_start3A_77] : memref<32x200x128x128xf32, #tpu.memory_space<hbm>> -> memref<1x1x128x128xf32, #tpu.memory_space<hbm>>
    %dma_start3A_79 = tpu.memref_squeeze %dma_start3A_78 : memref<1x1x128x128xf32, #tpu.memory_space<hbm>> -> memref<128x128xf32, #tpu.memory_space<hbm>>
    %dma_start3A_80 = arith.constant 0 : i32
    %dma_start3A_81 = arith.constant 0 : i32
    %dma_start3A_82 = tpu.memref_slice %arg6[%dma_start3A_66, %dma_start3A_80, %dma_start3A_81] : memref<4x128x128xf32, #tpu.memory_space<vmem>> -> memref<1x128x128xf32, #tpu.memory_space<vmem>>
    %dma_start3A_83 = tpu.memref_squeeze %dma_start3A_82 : memref<1x128x128xf32, #tpu.memory_space<vmem>> -> memref<128x128xf32, #tpu.memory_space<vmem>>
    tpu.enqueue_dma source(%dma_start3A_83 : memref<128x128xf32, #tpu.memory_space<vmem>>) target(%dma_start3A_79 : memref<128x128xf32, #tpu.memory_space<hbm>>) target_semaphore(%arg12 : memref<!tpu.dma_semaphore, #tpu.memory_space<semaphore_mem>>)
    %dma_wait3A_84 = arith.constant 197 : i32
    %dma_wait3A_85 = arith.constant 1 : i32
    %dma_wait3A_86 = arith.constant 0 : i32
    %dma_wait3A_87 = arith.constant 0 : i32
    %dma_wait3A_88 = tpu.memref_slice %arg6[%dma_wait3A_85, %dma_wait3A_86, %dma_wait3A_87] : memref<4x128x128xf32, #tpu.memory_space<vmem>> -> memref<1x128x128xf32, #tpu.memory_space<vmem>>
    %dma_wait3A_89 = tpu.memref_squeeze %dma_wait3A_88 : memref<1x128x128xf32, #tpu.memory_space<vmem>> -> memref<128x128xf32, #tpu.memory_space<vmem>>
    %dma_wait3A_90 = arith.constant 0 : i32
    %dma_wait3A_91 = tpu.memref_slice %arg5[%dma_wait3A_84, %dma_wait3A_90] : memref<200x128xi32, #tpu.memory_space<vmem>> -> memref<1x128xi32, #tpu.memory_space<vmem>>
    %dma_wait3A_92 = tpu.memref_squeeze %dma_wait3A_91 : memref<1x128xi32, #tpu.memory_space<vmem>> -> memref<128xi32, #tpu.memory_space<vmem>>
    %dma_wait3A_93 = arith.constant 0 : i32
    %dma_wait3A_94 = arith.constant 0 : i32
    %dma_wait3A_95 = tpu.memref_slice %arg7[%dma_wait3A_93, %dma_wait3A_94] : memref<384x128xf32, #tpu.memory_space<vmem_shared>> -> memref<384x128xf32, #tpu.memory_space<vmem_shared>>
    tpu.wait_indirect_dma semaphore(%arg9 : memref<!tpu.dma_semaphore, #tpu.memory_space<semaphore_mem>>) src(%dma_wait3A_95 : memref<384x128xf32, #tpu.memory_space<vmem_shared>>) dst(%dma_wait3A_89 : memref<128x128xf32, #tpu.memory_space<vmem>>)
    %dma_start3A_96 = arith.constant 1 : i32
    %dma_start3A_97 = arith.constant 197 : i32
    %dma_start3A_98 = arith.constant 0 : i32
    %dma_start3A_99 = arith.constant 0 : i32
    %dma_start3A_100 = tpu.memref_slice %arg6[%dma_start3A_96, %dma_start3A_98, %dma_start3A_99] : memref<4x128x128xf32, #tpu.memory_space<vmem>> -> memref<1x128x128xf32, #tpu.memory_space<vmem>>
    %dma_start3A_101 = tpu.memref_squeeze %dma_start3A_100 : memref<1x128x128xf32, #tpu.memory_space<vmem>> -> memref<128x128xf32, #tpu.memory_space<vmem>>
    %dma_start3A_102 = arith.constant 0 : i32
    %dma_start3A_103 = arith.constant 0 : i32
    %dma_start3A_104 = tpu.memref_slice %arg4[%add3A, %dma_start3A_97, %dma_start3A_102, %dma_start3A_103] : memref<32x200x128x128xf32, #tpu.memory_space<hbm>> -> memref<1x1x128x128xf32, #tpu.memory_space<hbm>>
    %dma_start3A_105 = tpu.memref_squeeze %dma_start3A_104 : memref<1x1x128x128xf32, #tpu.memory_space<hbm>> -> memref<128x128xf32, #tpu.memory_space<hbm>>
    %dma_start3A_106 = arith.constant 0 : i32
    %dma_start3A_107 = arith.constant 0 : i32
    %dma_start3A_108 = tpu.memref_slice %arg4[%add3A, %dma_start3A_97, %dma_start3A_106, %dma_start3A_107] : memref<32x200x128x128xf32, #tpu.memory_space<hbm>> -> memref<1x1x128x128xf32, #tpu.memory_space<hbm>>
    %dma_start3A_109 = tpu.memref_squeeze %dma_start3A_108 : memref<1x1x128x128xf32, #tpu.memory_space<hbm>> -> memref<128x128xf32, #tpu.memory_space<hbm>>
    %dma_start3A_110 = arith.constant 0 : i32
    %dma_start3A_111 = arith.constant 0 : i32
    %dma_start3A_112 = tpu.memref_slice %arg6[%dma_start3A_96, %dma_start3A_110, %dma_start3A_111] : memref<4x128x128xf32, #tpu.memory_space<vmem>> -> memref<1x128x128xf32, #tpu.memory_space<vmem>>
    %dma_start3A_113 = tpu.memref_squeeze %dma_start3A_112 : memref<1x128x128xf32, #tpu.memory_space<vmem>> -> memref<128x128xf32, #tpu.memory_space<vmem>>
    tpu.enqueue_dma source(%dma_start3A_113 : memref<128x128xf32, #tpu.memory_space<vmem>>) target(%dma_start3A_109 : memref<128x128xf32, #tpu.memory_space<hbm>>) target_semaphore(%arg13 : memref<!tpu.dma_semaphore, #tpu.memory_space<semaphore_mem>>)
    %dma_wait3A_114 = arith.constant 198 : i32
    %dma_wait3A_115 = arith.constant 2 : i32
    %dma_wait3A_116 = arith.constant 0 : i32
    %dma_wait3A_117 = arith.constant 0 : i32
    %dma_wait3A_118 = tpu.memref_slice %arg6[%dma_wait3A_115, %dma_wait3A_116, %dma_wait3A_117] : memref<4x128x128xf32, #tpu.memory_space<vmem>> -> memref<1x128x128xf32, #tpu.memory_space<vmem>>
    %dma_wait3A_119 = tpu.memref_squeeze %dma_wait3A_118 : memref<1x128x128xf32, #tpu.memory_space<vmem>> -> memref<128x128xf32, #tpu.memory_space<vmem>>
    %dma_wait3A_120 = arith.constant 0 : i32
    %dma_wait3A_121 = tpu.memref_slice %arg5[%dma_wait3A_114, %dma_wait3A_120] : memref<200x128xi32, #tpu.memory_space<vmem>> -> memref<1x128xi32, #tpu.memory_space<vmem>>
    %dma_wait3A_122 = tpu.memref_squeeze %dma_wait3A_121 : memref<1x128xi32, #tpu.memory_space<vmem>> -> memref<128xi32, #tpu.memory_space<vmem>>
    %dma_wait3A_123 = arith.constant 0 : i32
    %dma_wait3A_124 = arith.constant 0 : i32
    %dma_wait3A_125 = tpu.memref_slice %arg7[%dma_wait3A_123, %dma_wait3A_124] : memref<384x128xf32, #tpu.memory_space<vmem_shared>> -> memref<384x128xf32, #tpu.memory_space<vmem_shared>>
    tpu.wait_indirect_dma semaphore(%arg10 : memref<!tpu.dma_semaphore, #tpu.memory_space<semaphore_mem>>) src(%dma_wait3A_125 : memref<384x128xf32, #tpu.memory_space<vmem_shared>>) dst(%dma_wait3A_119 : memref<128x128xf32, #tpu.memory_space<vmem>>)
    %dma_start3A_126 = arith.constant 2 : i32
    %dma_start3A_127 = arith.constant 198 : i32
    %dma_start3A_128 = arith.constant 0 : i32
    %dma_start3A_129 = arith.constant 0 : i32
    %dma_start3A_130 = tpu.memref_slice %arg6[%dma_start3A_126, %dma_start3A_128, %dma_start3A_129] : memref<4x128x128xf32, #tpu.memory_space<vmem>> -> memref<1x128x128xf32, #tpu.memory_space<vmem>>
    %dma_start3A_131 = tpu.memref_squeeze %dma_start3A_130 : memref<1x128x128xf32, #tpu.memory_space<vmem>> -> memref<128x128xf32, #tpu.memory_space<vmem>>
    %dma_start3A_132 = arith.constant 0 : i32
    %dma_start3A_133 = arith.constant 0 : i32
    %dma_start3A_134 = tpu.memref_slice %arg4[%add3A, %dma_start3A_127, %dma_start3A_132, %dma_start3A_133] : memref<32x200x128x128xf32, #tpu.memory_space<hbm>> -> memref<1x1x128x128xf32, #tpu.memory_space<hbm>>
    %dma_start3A_135 = tpu.memref_squeeze %dma_start3A_134 : memref<1x1x128x128xf32, #tpu.memory_space<hbm>> -> memref<128x128xf32, #tpu.memory_space<hbm>>
    %dma_start3A_136 = arith.constant 0 : i32
    %dma_start3A_137 = arith.constant 0 : i32
    %dma_start3A_138 = tpu.memref_slice %arg4[%add3A, %dma_start3A_127, %dma_start3A_136, %dma_start3A_137] : memref<32x200x128x128xf32, #tpu.memory_space<hbm>> -> memref<1x1x128x128xf32, #tpu.memory_space<hbm>>
    %dma_start3A_139 = tpu.memref_squeeze %dma_start3A_138 : memref<1x1x128x128xf32, #tpu.memory_space<hbm>> -> memref<128x128xf32, #tpu.memory_space<hbm>>
    %dma_start3A_140 = arith.constant 0 : i32
    %dma_start3A_141 = arith.constant 0 : i32
    %dma_start3A_142 = tpu.memref_slice %arg6[%dma_start3A_126, %dma_start3A_140, %dma_start3A_141] : memref<4x128x128xf32, #tpu.memory_space<vmem>> -> memref<1x128x128xf32, #tpu.memory_space<vmem>>
    %dma_start3A_143 = tpu.memref_squeeze %dma_start3A_142 : memref<1x128x128xf32, #tpu.memory_space<vmem>> -> memref<128x128xf32, #tpu.memory_space<vmem>>
    tpu.enqueue_dma source(%dma_start3A_143 : memref<128x128xf32, #tpu.memory_space<vmem>>) target(%dma_start3A_139 : memref<128x128xf32, #tpu.memory_space<hbm>>) target_semaphore(%arg14 : memref<!tpu.dma_semaphore, #tpu.memory_space<semaphore_mem>>)
    %dma_wait3A_144 = arith.constant 199 : i32
    %dma_wait3A_145 = arith.constant 3 : i32
    %dma_wait3A_146 = arith.constant 0 : i32
    %dma_wait3A_147 = arith.constant 0 : i32
    %dma_wait3A_148 = tpu.memref_slice %arg6[%dma_wait3A_145, %dma_wait3A_146, %dma_wait3A_147] : memref<4x128x128xf32, #tpu.memory_space<vmem>> -> memref<1x128x128xf32, #tpu.memory_space<vmem>>
    %dma_wait3A_149 = tpu.memref_squeeze %dma_wait3A_148 : memref<1x128x128xf32, #tpu.memory_space<vmem>> -> memref<128x128xf32, #tpu.memory_space<vmem>>
    %dma_wait3A_150 = arith.constant 0 : i32
    %dma_wait3A_151 = tpu.memref_slice %arg5[%dma_wait3A_144, %dma_wait3A_150] : memref<200x128xi32, #tpu.memory_space<vmem>> -> memref<1x128xi32, #tpu.memory_space<vmem>>
    %dma_wait3A_152 = tpu.memref_squeeze %dma_wait3A_151 : memref<1x128xi32, #tpu.memory_space<vmem>> -> memref<128xi32, #tpu.memory_space<vmem>>
    %dma_wait3A_153 = arith.constant 0 : i32
    %dma_wait3A_154 = arith.constant 0 : i32
    %dma_wait3A_155 = tpu.memref_slice %arg7[%dma_wait3A_153, %dma_wait3A_154] : memref<384x128xf32, #tpu.memory_space<vmem_shared>> -> memref<384x128xf32, #tpu.memory_space<vmem_shared>>
    tpu.wait_indirect_dma semaphore(%arg11 : memref<!tpu.dma_semaphore, #tpu.memory_space<semaphore_mem>>) src(%dma_wait3A_155 : memref<384x128xf32, #tpu.memory_space<vmem_shared>>) dst(%dma_wait3A_149 : memref<128x128xf32, #tpu.memory_space<vmem>>)
    %dma_start3A_156 = arith.constant 3 : i32
    %dma_start3A_157 = arith.constant 199 : i32
    %dma_start3A_158 = arith.constant 0 : i32
    %dma_start3A_159 = arith.constant 0 : i32
    %dma_start3A_160 = tpu.memref_slice %arg6[%dma_start3A_156, %dma_start3A_158, %dma_start3A_159] : memref<4x128x128xf32, #tpu.memory_space<vmem>> -> memref<1x128x128xf32, #tpu.memory_space<vmem>>
    %dma_start3A_161 = tpu.memref_squeeze %dma_start3A_160 : memref<1x128x128xf32, #tpu.memory_space<vmem>> -> memref<128x128xf32, #tpu.memory_space<vmem>>
    %dma_start3A_162 = arith.constant 0 : i32
    %dma_start3A_163 = arith.constant 0 : i32
    %dma_start3A_164 = tpu.memref_slice %arg4[%add3A, %dma_start3A_157, %dma_start3A_162, %dma_start3A_163] : memref<32x200x128x128xf32, #tpu.memory_space<hbm>> -> memref<1x1x128x128xf32, #tpu.memory_space<hbm>>
    %dma_start3A_165 = tpu.memref_squeeze %dma_start3A_164 : memref<1x1x128x128xf32, #tpu.memory_space<hbm>> -> memref<128x128xf32, #tpu.memory_space<hbm>>
    %dma_start3A_166 = arith.constant 0 : i32
    %dma_start3A_167 = arith.constant 0 : i32
    %dma_start3A_168 = tpu.memref_slice %arg4[%add3A, %dma_start3A_157, %dma_start3A_166, %dma_start3A_167] : memref<32x200x128x128xf32, #tpu.memory_space<hbm>> -> memref<1x1x128x128xf32, #tpu.memory_space<hbm>>
    %dma_start3A_169 = tpu.memref_squeeze %dma_start3A_168 : memref<1x1x128x128xf32, #tpu.memory_space<hbm>> -> memref<128x128xf32, #tpu.memory_space<hbm>>
    %dma_start3A_170 = arith.constant 0 : i32
    %dma_start3A_171 = arith.constant 0 : i32
    %dma_start3A_172 = tpu.memref_slice %arg6[%dma_start3A_156, %dma_start3A_170, %dma_start3A_171] : memref<4x128x128xf32, #tpu.memory_space<vmem>> -> memref<1x128x128xf32, #tpu.memory_space<vmem>>
    %dma_start3A_173 = tpu.memref_squeeze %dma_start3A_172 : memref<1x128x128xf32, #tpu.memory_space<vmem>> -> memref<128x128xf32, #tpu.memory_space<vmem>>
    tpu.enqueue_dma source(%dma_start3A_173 : memref<128x128xf32, #tpu.memory_space<vmem>>) target(%dma_start3A_169 : memref<128x128xf32, #tpu.memory_space<hbm>>) target_semaphore(%arg15 : memref<!tpu.dma_semaphore, #tpu.memory_space<semaphore_mem>>)
    %dma_wait3A_174 = arith.constant 0 : i32
    %dma_wait3A_175 = arith.constant 196 : i32
    %dma_wait3A_176 = arith.constant 0 : i32
    %dma_wait3A_177 = arith.constant 0 : i32
    %dma_wait3A_178 = tpu.memref_slice %arg6[%dma_wait3A_174, %dma_wait3A_176, %dma_wait3A_177] : memref<4x128x128xf32, #tpu.memory_space<vmem>> -> memref<1x128x128xf32, #tpu.memory_space<vmem>>
    %dma_wait3A_179 = tpu.memref_squeeze %dma_wait3A_178 : memref<1x128x128xf32, #tpu.memory_space<vmem>> -> memref<128x128xf32, #tpu.memory_space<vmem>>
    %dma_wait3A_180 = arith.constant 0 : i32
    %dma_wait3A_181 = arith.constant 0 : i32
    %dma_wait3A_182 = tpu.memref_slice %arg4[%add3A, %dma_wait3A_175, %dma_wait3A_180, %dma_wait3A_181] : memref<32x200x128x128xf32, #tpu.memory_space<hbm>> -> memref<1x1x128x128xf32, #tpu.memory_space<hbm>>
    %dma_wait3A_183 = tpu.memref_squeeze %dma_wait3A_182 : memref<1x1x128x128xf32, #tpu.memory_space<hbm>> -> memref<128x128xf32, #tpu.memory_space<hbm>>
    %dma_wait3A_184 = arith.constant 0 : i32
    %dma_wait3A_185 = arith.constant 0 : i32
    %dma_wait3A_186 = tpu.memref_slice %arg4[%add3A, %dma_wait3A_175, %dma_wait3A_184, %dma_wait3A_185] : memref<32x200x128x128xf32, #tpu.memory_space<hbm>> -> memref<1x1x128x128xf32, #tpu.memory_space<hbm>>
    %dma_wait3A_187 = tpu.memref_squeeze %dma_wait3A_186 : memref<1x1x128x128xf32, #tpu.memory_space<hbm>> -> memref<128x128xf32, #tpu.memory_space<hbm>>
    %dma_wait3A_188 = arith.constant 0 : i32
    %dma_wait3A_189 = arith.constant 0 : i32
    %dma_wait3A_190 = tpu.memref_slice %arg6[%dma_wait3A_174, %dma_wait3A_188, %dma_wait3A_189] : memref<4x128x128xf32, #tpu.memory_space<vmem>> -> memref<1x128x128xf32, #tpu.memory_space<vmem>>
    %dma_wait3A_191 = tpu.memref_squeeze %dma_wait3A_190 : memref<1x128x128xf32, #tpu.memory_space<vmem>> -> memref<128x128xf32, #tpu.memory_space<vmem>>
    tpu.wait_dma2 semaphore(%arg12 : memref<!tpu.dma_semaphore, #tpu.memory_space<semaphore_mem>>) src(%dma_wait3A_191 : memref<128x128xf32, #tpu.memory_space<vmem>>) dst(%dma_wait3A_187 : memref<128x128xf32, #tpu.memory_space<hbm>>)
    %dma_wait3A_192 = arith.constant 1 : i32
    %dma_wait3A_193 = arith.constant 197 : i32
    %dma_wait3A_194 = arith.constant 0 : i32
    %dma_wait3A_195 = arith.constant 0 : i32
    %dma_wait3A_196 = tpu.memref_slice %arg6[%dma_wait3A_192, %dma_wait3A_194, %dma_wait3A_195] : memref<4x128x128xf32, #tpu.memory_space<vmem>> -> memref<1x128x128xf32, #tpu.memory_space<vmem>>
    %dma_wait3A_197 = tpu.memref_squeeze %dma_wait3A_196 : memref<1x128x128xf32, #tpu.memory_space<vmem>> -> memref<128x128xf32, #tpu.memory_space<vmem>>
    %dma_wait3A_198 = arith.constant 0 : i32
    %dma_wait3A_199 = arith.constant 0 : i32
    %dma_wait3A_200 = tpu.memref_slice %arg4[%add3A, %dma_wait3A_193, %dma_wait3A_198, %dma_wait3A_199] : memref<32x200x128x128xf32, #tpu.memory_space<hbm>> -> memref<1x1x128x128xf32, #tpu.memory_space<hbm>>
    %dma_wait3A_201 = tpu.memref_squeeze %dma_wait3A_200 : memref<1x1x128x128xf32, #tpu.memory_space<hbm>> -> memref<128x128xf32, #tpu.memory_space<hbm>>
    %dma_wait3A_202 = arith.constant 0 : i32
    %dma_wait3A_203 = arith.constant 0 : i32
    %dma_wait3A_204 = tpu.memref_slice %arg4[%add3A, %dma_wait3A_193, %dma_wait3A_202, %dma_wait3A_203] : memref<32x200x128x128xf32, #tpu.memory_space<hbm>> -> memref<1x1x128x128xf32, #tpu.memory_space<hbm>>
    %dma_wait3A_205 = tpu.memref_squeeze %dma_wait3A_204 : memref<1x1x128x128xf32, #tpu.memory_space<hbm>> -> memref<128x128xf32, #tpu.memory_space<hbm>>
    %dma_wait3A_206 = arith.constant 0 : i32
    %dma_wait3A_207 = arith.constant 0 : i32
    %dma_wait3A_208 = tpu.memref_slice %arg6[%dma_wait3A_192, %dma_wait3A_206, %dma_wait3A_207] : memref<4x128x128xf32, #tpu.memory_space<vmem>> -> memref<1x128x128xf32, #tpu.memory_space<vmem>>
    %dma_wait3A_209 = tpu.memref_squeeze %dma_wait3A_208 : memref<1x128x128xf32, #tpu.memory_space<vmem>> -> memref<128x128xf32, #tpu.memory_space<vmem>>
    tpu.wait_dma2 semaphore(%arg13 : memref<!tpu.dma_semaphore, #tpu.memory_space<semaphore_mem>>) src(%dma_wait3A_209 : memref<128x128xf32, #tpu.memory_space<vmem>>) dst(%dma_wait3A_205 : memref<128x128xf32, #tpu.memory_space<hbm>>)
    %dma_wait3A_210 = arith.constant 2 : i32
    %dma_wait3A_211 = arith.constant 198 : i32
    %dma_wait3A_212 = arith.constant 0 : i32
    %dma_wait3A_213 = arith.constant 0 : i32
    %dma_wait3A_214 = tpu.memref_slice %arg6[%dma_wait3A_210, %dma_wait3A_212, %dma_wait3A_213] : memref<4x128x128xf32, #tpu.memory_space<vmem>> -> memref<1x128x128xf32, #tpu.memory_space<vmem>>
    %dma_wait3A_215 = tpu.memref_squeeze %dma_wait3A_214 : memref<1x128x128xf32, #tpu.memory_space<vmem>> -> memref<128x128xf32, #tpu.memory_space<vmem>>
    %dma_wait3A_216 = arith.constant 0 : i32
    %dma_wait3A_217 = arith.constant 0 : i32
    %dma_wait3A_218 = tpu.memref_slice %arg4[%add3A, %dma_wait3A_211, %dma_wait3A_216, %dma_wait3A_217] : memref<32x200x128x128xf32, #tpu.memory_space<hbm>> -> memref<1x1x128x128xf32, #tpu.memory_space<hbm>>
    %dma_wait3A_219 = tpu.memref_squeeze %dma_wait3A_218 : memref<1x1x128x128xf32, #tpu.memory_space<hbm>> -> memref<128x128xf32, #tpu.memory_space<hbm>>
    %dma_wait3A_220 = arith.constant 0 : i32
    %dma_wait3A_221 = arith.constant 0 : i32
    %dma_wait3A_222 = tpu.memref_slice %arg4[%add3A, %dma_wait3A_211, %dma_wait3A_220, %dma_wait3A_221] : memref<32x200x128x128xf32, #tpu.memory_space<hbm>> -> memref<1x1x128x128xf32, #tpu.memory_space<hbm>>
    %dma_wait3A_223 = tpu.memref_squeeze %dma_wait3A_222 : memref<1x1x128x128xf32, #tpu.memory_space<hbm>> -> memref<128x128xf32, #tpu.memory_space<hbm>>
    %dma_wait3A_224 = arith.constant 0 : i32
    %dma_wait3A_225 = arith.constant 0 : i32
    %dma_wait3A_226 = tpu.memref_slice %arg6[%dma_wait3A_210, %dma_wait3A_224, %dma_wait3A_225] : memref<4x128x128xf32, #tpu.memory_space<vmem>> -> memref<1x128x128xf32, #tpu.memory_space<vmem>>
    %dma_wait3A_227 = tpu.memref_squeeze %dma_wait3A_226 : memref<1x128x128xf32, #tpu.memory_space<vmem>> -> memref<128x128xf32, #tpu.memory_space<vmem>>
    tpu.wait_dma2 semaphore(%arg14 : memref<!tpu.dma_semaphore, #tpu.memory_space<semaphore_mem>>) src(%dma_wait3A_227 : memref<128x128xf32, #tpu.memory_space<vmem>>) dst(%dma_wait3A_223 : memref<128x128xf32, #tpu.memory_space<hbm>>)
    %dma_wait3A_228 = arith.constant 3 : i32
    %dma_wait3A_229 = arith.constant 199 : i32
    %dma_wait3A_230 = arith.constant 0 : i32
    %dma_wait3A_231 = arith.constant 0 : i32
    %dma_wait3A_232 = tpu.memref_slice %arg6[%dma_wait3A_228, %dma_wait3A_230, %dma_wait3A_231] : memref<4x128x128xf32, #tpu.memory_space<vmem>> -> memref<1x128x128xf32, #tpu.memory_space<vmem>>
    %dma_wait3A_233 = tpu.memref_squeeze %dma_wait3A_232 : memref<1x128x128xf32, #tpu.memory_space<vmem>> -> memref<128x128xf32, #tpu.memory_space<vmem>>
    %dma_wait3A_234 = arith.constant 0 : i32
    %dma_wait3A_235 = arith.constant 0 : i32
    %dma_wait3A_236 = tpu.memref_slice %arg4[%add3A, %dma_wait3A_229, %dma_wait3A_234, %dma_wait3A_235] : memref<32x200x128x128xf32, #tpu.memory_space<hbm>> -> memref<1x1x128x128xf32, #tpu.memory_space<hbm>>
    %dma_wait3A_237 = tpu.memref_squeeze %dma_wait3A_236 : memref<1x1x128x128xf32, #tpu.memory_space<hbm>> -> memref<128x128xf32, #tpu.memory_space<hbm>>
    %dma_wait3A_238 = arith.constant 0 : i32
    %dma_wait3A_239 = arith.constant 0 : i32
    %dma_wait3A_240 = tpu.memref_slice %arg4[%add3A, %dma_wait3A_229, %dma_wait3A_238, %dma_wait3A_239] : memref<32x200x128x128xf32, #tpu.memory_space<hbm>> -> memref<1x1x128x128xf32, #tpu.memory_space<hbm>>
    %dma_wait3A_241 = tpu.memref_squeeze %dma_wait3A_240 : memref<1x1x128x128xf32, #tpu.memory_space<hbm>> -> memref<128x128xf32, #tpu.memory_space<hbm>>
    %dma_wait3A_242 = arith.constant 0 : i32
    %dma_wait3A_243 = arith.constant 0 : i32
    %dma_wait3A_244 = tpu.memref_slice %arg6[%dma_wait3A_228, %dma_wait3A_242, %dma_wait3A_243] : memref<4x128x128xf32, #tpu.memory_space<vmem>> -> memref<1x128x128xf32, #tpu.memory_space<vmem>>
    %dma_wait3A_245 = tpu.memref_squeeze %dma_wait3A_244 : memref<1x128x128xf32, #tpu.memory_space<vmem>> -> memref<128x128xf32, #tpu.memory_space<vmem>>
    tpu.wait_dma2 semaphore(%arg15 : memref<!tpu.dma_semaphore, #tpu.memory_space<semaphore_mem>>) src(%dma_wait3A_245 : memref<128x128xf32, #tpu.memory_space<vmem>>) dst(%dma_wait3A_241 : memref<128x128xf32, #tpu.memory_space<hbm>>)
    return
  }
}

</mosaic_0001>

<sc_bundles>
// kernel: kernel.3.cloned.1.call-start
scs
__scs_entry_jumppad:
0x0: {  	(pc) =	sbr.rel $0x88, $3  }
0x1: {  	(tag) =	ssettag $0x0;
	lr =	simm.s32 $0x1  }
0x2: {  	[smem:$0x3F9F] =	sst lr;
	_ =	strace $0xD0000000  }
0x3: {  	_ = 	snop  }
0x4: {  	_ = 	snop  }
0x5: {  	_ = 	snop  }
0x6: {  	_ = 	snop  }
0x7: {  	_ = 	snop  }
__scs_overlays_trampoline_lowered:
0x8: {  	[smem:$0x3FAE] =	sst s0  }
0x9: {  	[smem:$0x3FAF] =	sst s1  }
0xa: {  	[smem:$0x3FB0] =	sst s2  }
0xb: {  	[smem:$0x3FB1] =	sst s3  }
0xc: {  	[smem:$0x3FB2] =	sst s4  }
0xd: {  	[smem:$0x3FB3] =	sst s5  }
0xe: {  	[smem:$0x3FB4] =	sst s6  }
0xf: {  	[smem:$0x3FB5] =	sst s7  }
0x10: {  	[smem:$0x3FB6] =	sst s8  }
0x11: {  	[smem:$0x3FB7] =	sst s9;
	s0 =	simm.s32 @!p0 $0x0  }
0x12: {  	s1 =	sld [smem:$0x3F9D];
	s0 =	simm.s32 @p0 $0x1  }
0x13: {  	[smem:$0x3FB8] =	sst s0;
	s0 =	simm.s32 @!p1 $0x0  }
0x14: {  	s2 =	sld [smem:$0x3F9C];
	s0 =	simm.s32 @p1 $0x1  }
0x15: {  	[smem:$0x3FB9] =	sst s0;
	s0 =	simm.s32 @!p2 $0x0  }
0x16: {  	s3 =	sld [smem:$0x3FDB];
	s0 =	simm.s32 @p2 $0x1  }
0x17: {  	s4 =	simm.s32 $0x1BF5;
	[smem:$0x3FBB] =	sst s0  }
0x18: {  	s0 =	sld [smem:$0x3F9E];
	_ =	swait.ge [sflag:s4], $0x0  }
0x19: {  	s7 =	sld [smem:$0x3F9F]  }
0x1a: {  	s8 =	sadd.s32 $0xFFFFE003, lr  }
0x1b: {  	s9 =	sadd.s32 $0xFFFFFEF7, lr;
	s5 =	simm.s32 $0xFFFFFFFF;
	p2 =	slt.u32 s8, $0xFFFFF086  }
0x1c: {  	p1 =	slt.u32 s9, $0xF7A;
	s5 =	simm.s32 @!p2 $0x0  }
0x1d: {  	s5 =	simm.s32 @p1 $0x1;
	p0 =	seq.s32 s7, s2  }
0x1e: {  	s7 =	smul.u32 @!p0 $0xF7A, s2;
	p2 =	seq.s32 @!p0 s5, $0x0  }
0x1f: {  	s9 =	smul.u32 $0xF7A, s1;
	s8 =	simm.s32 @!p0 $0x1BF5;
	p2 =	por !p2, p0  }
0x20: {  	[sflag:s8] =	ssyncset.s32 @!p0 $0xFFFFF086;
	s6 =	sadd.s32 @!p0 s3, s7;
	s7 =	simm.s32 @!p0 $0x108  }
0x21: {  	s3 =	sadd.s32 s3, s9;
	s6 =	sadd.s32 @!p0 $0x88, s6;
	s7 =	simm.s32 @p2 $0x1082  }
0x22: {  	[simem:s7], [sflag:s8] =	dma.local @!p0 [hbm:s6], $0xF7A  }
0x23: {  	s9 =	sor.u32 $0xD0000000, s2;
	s6 =	simm.s32 $0x108;
	_ =	swait.ge @!p0 [sflag:s8], $0x0  }
0x24: {  	s3 =	sadd.s32 $0x88, s3;
	s6 =	simm.s32 @!p1 $0x1082;
	[sflag:s4] =	ssyncset.s32 $0xFFFFF086  }
0x25: {  	[simem:s6], [sflag:s4] =	dma.local [hbm:s3], $0xF7A  }
0x26: {  	[smem:$0x3F9F] =	sst s1;
	(tag) =	ssettag s2;
	_ =	strace s9  }
0x27: {  	s1 =	sld [smem:$0x3FAF]  }
0x28: {  	s2 =	sld [smem:$0x3FB0]  }
0x29: {  	s4 =	sld [smem:$0x3FB2]  }
0x2a: {  	p0 =	seq.s32 s5, $0x0;
	s5 =	sld [smem:$0x3FB3]  }
0x2b: {  	s6 =	sld [smem:$0x3FB4]  }
0x2c: {  	s7 =	sld [smem:$0x3FB5]  }
0x2d: {  	s3 =	simm.s32 $0x108;
	s8 =	sld [smem:$0x3FB6]  }
0x2e: {  	s3 =	simm.s32 @!p0 $0x1082;
	s9 =	sld [smem:$0x3FB7]  }
0x2f: {  	lr =	sadd.s32 s0, s3;
	s0 =	sld [smem:$0x3FAE]  }
0x30: {  	s3 =	sld [smem:$0x3FB1]  }
0x31: {  	[smem:$0x3FBA] =	sst s10  }
0x32: {  	s10 =	sld [smem:$0x3FB8];
	_ =	sdelay $0x3  }
0x33: {  	p0 =	seq.s32 s10, $0x1;
	s10 =	sld [smem:$0x3FBA];
	_ =	sdelay $0x3  }
0x34: {  	[smem:$0x3FBA] =	sst s10  }
0x35: {  	s10 =	sld [smem:$0x3FB9];
	_ =	sdelay $0x3  }
0x36: {  	p1 =	seq.s32 s10, $0x1;
	s10 =	sld [smem:$0x3FBA];
	_ =	sdelay $0x3  }
0x37: {  	[smem:$0x3FBA] =	sst s10  }
0x38: {  	s10 =	sld [smem:$0x3FBB]  }
0x39: {  	_ = 	snop;
	(pc) =	sbr.ind lr, $3  }
0x3a: {  	_ = 	snop  }
0x3b: {  	_ = 	snop  }
0x3c: {  	p2 =	seq.s32 s10, $0x1;
	s10 =	sld [smem:$0x3FBA]  }
0x3d: {  	_ =	shalt  }
0x3e: {  	_ =	shalt  }
0x3f: {  	_ =	shalt  }
0x40: {  	_ =	shalt  }
0x41: {  	_ =	shalt  }
0x42: {  	_ =	shalt  }
0x43: {  	_ =	shalt  }
0x44: {  	_ =	shalt  }
0x45: {  	_ =	shalt  }
0x46: {  	_ =	shalt  }
0x47: {  	_ =	shalt  }
0x48: {  	_ =	shalt  }
0x49: {  	_ =	shalt  }
0x4a: {  	_ =	shalt  }
0x4b: {  	_ =	shalt  }
0x4c: {  	_ =	shalt  }
0x4d: {  	_ =	shalt  }
0x4e: {  	_ =	shalt  }
0x4f: {  	_ =	shalt  }
0x50: {  	_ =	shalt  }
0x51: {  	_ =	shalt  }
0x52: {  	_ =	shalt  }
0x53: {  	_ =	shalt  }
0x54: {  	_ =	shalt  }
0x55: {  	_ =	shalt  }
0x56: {  	_ =	shalt  }
0x57: {  	_ =	shalt  }
0x58: {  	_ =	shalt  }
0x59: {  	_ =	shalt  }
0x5a: {  	_ =	shalt  }
0x5b: {  	_ =	shalt  }
0x5c: {  	_ =	shalt  }
0x5d: {  	_ =	shalt  }
0x5e: {  	_ =	shalt  }
0x5f: {  	_ =	shalt  }
0x60: {  	_ =	shalt  }
0x61: {  	_ =	shalt  }
0x62: {  	_ =	shalt  }
0x63: {  	_ =	shalt  }
0x64: {  	_ =	shalt  }
0x65: {  	_ =	shalt  }
0x66: {  	_ =	shalt  }
0x67: {  	_ =	shalt  }
0x68: {  	_ =	shalt  }
0x69: {  	_ =	shalt  }
0x6a: {  	_ =	shalt  }
0x6b: {  	_ =	shalt  }
0x6c: {  	_ =	shalt  }
0x6d: {  	_ =	shalt  }
0x6e: {  	_ =	shalt  }
0x6f: {  	_ =	shalt  }
0x70: {  	_ =	shalt  }
0x71: {  	_ =	shalt  }
0x72: {  	_ =	shalt  }
0x73: {  	_ =	shalt  }
0x74: {  	_ =	shalt  }
0x75: {  	_ =	shalt  }
0x76: {  	_ =	shalt  }
0x77: {  	_ =	shalt  }
0x78: {  	_ =	shalt  }
0x79: {  	_ =	shalt  }
0x7a: {  	_ =	shalt  }
0x7b: {  	_ =	shalt  }
0x7c: {  	_ =	shalt  }
0x7d: {  	_ =	shalt  }
0x7e: {  	_ =	shalt  }
0x7f: {  	_ =	shalt  }
0x80: {  	_ =	shalt  }
0x81: {  	_ =	shalt  }
0x82: {  	_ =	shalt  }
0x83: {  	_ =	shalt  }
0x84: {  	_ =	shalt  }
0x85: {  	_ =	shalt  }
0x86: {  	_ =	shalt  }
0x87: {  	_ =	shalt  }
.Lfunc_end0:
.L_simem_size_0:
called_computation_lowered:
.L_overlay_start_0:
0x88: {  	s2 =	sld [smem:$0x3FD9]  }
0x89: {  	s3 =	sld [smem:$0x3FFE];
	_ =	sdelay $0x1  }
0x8a: {  	s1 =	srdreg.scid  }
0x8b: {  	s0 =	sand.u32 $0x1, s1  }
0x8c: {  	s17 =	sshll.u32 s0, $0xA;
	s2 =	sadd.s32 s3, s2  }
0x8d: {  	s2 =	sadd.s32 s2, s17  }
0x8e: {  	[smem:$0x3FC6] =	sst s2  }
0x8f: {  	_ = 	snop  }
0x90: {  	s2 =	sld [smem:$0x3FD0];
	(tm) =	ssettm $0x1  }
0x91: {  	s18 =	sld [smem:$0x3FFB];
	_ =	sdelay $0x3  }
0x92: {  	_ =	strace s18  }
0x93: {  	s3 =	sld [smem:$0x3FFC];
	_ =	sdelay $0x3  }
0x94: {  	_ =	strace s3  }
0x95: {  	s3 =	sld [smem:$0x3FFD];
	_ =	sdelay $0x3  }
0x96: {  	_ =	strace s3  }
0x97: {  	_ =	strace $0x8FFFFFFF  }
0x98: {  	s19 =	sld [smem:$0x3FDB];
	_ =	sdelay $0x1  }
0x99: {  	s4 =	simm.s32 $_scs_section_size  }
0x9a: {  	s5 =	simm.s32 $_size__tile_overlayer_lowered;
	s6 =	simm.s32 $_tile_overlayer_lowered  }
0x9b: {  	s22 =	simm.s32 $0x1BFF;
	s21 =	sshll.u32 s6, $0x1;
	s3 =	sadd.s32 s4, s19  }
0x9c: {  	s7 =	simm.s32 $0x0;
	s20 =	sshll.u32 s5, $0x1;
	s5 =	sadd.s32 s21, s3  }
0x9d: {  	[timem:s7], [sflag:s22] =	dma.local [hbm:s5], s20  }
0x9e: {  	_ =	swait.ge [sflag:s22], s20  }
0x9f: {  	s4 =	ssub.s32 $0x0, s20;
	[sflag:s22] =	ssyncset.done $0x0  }
0xa0: {  	[sflag:s22] =	ssyncadd.s32 s4;
	_ =	sdelay $0x1  }
0xa1: {  	s23 =	simm.s32 $0x1B8B  }
0xa2: {  	_ =	swait.ge [sflag:s23], $0x1  }
0xa3: {  	[sflag:s23] =	ssyncset.done $0x0  }
0xa4: {  	s25 =	simm.s32 $0x1B8E;
	s24 =	sld [smem:$0x3FFE];
	[sflag:s23] =	ssyncadd.s32 $0xFFFFFFFF  }
0xa5: {  	s26 =	simm.s32 $execute0_lowered;
	[smem:$0x3FD2] =	sst s25  }
0xa6: {  	s5 =	sshll.u32 s26, $0x1;
	_ =	strace $0x80000046;
	[dreg:$0x1] =	wrdreg $0xFFFFFFFF  }
0xa7: {  	s28 =	simm.s32 $_size_execute0_lowered;
	s3 =	sadd.s32 s3, s5;
	[dreg:$0x0] =	wrdreg $0x0  }
0xa8: {  	s5 =	sshll.u32 s28, $0x1;
	[dreg:$0x2] =	wrdreg s3  }
0xa9: {  	[dreg:$0x3] =	wrdreg s5  }
0xaa: {  	[dreg:$0x4] =	wrdreg $0xC0  }
0xab: {  	_ =	task [dreg:s7], $0x5FFFF  }
0xac: {  	[dreg:$0x1] =	wrdreg $0xFFFFFFFF  }
0xad: {  	[dreg:$0x0] =	wrdreg $0x60  }
0xae: {  	[dreg:$0x2] =	wrdreg s24  }
0xaf: {  	[dreg:$0x3] =	wrdreg s2  }
0xb0: {  	[dreg:$0x4] =	wrdreg $0x164000  }
0xb1: {  	[dreg:$0x5] =	wrdreg $0x9  }
0xb2: {  	_ =	task.clear_ibuf [dreg:s7], $0x6FFFF;
	_ =	strace $0x90000046  }
0xb3: {  	s29 =	simm.s32 $0x9;
	_ =	strace $0x80000048  }
0xb4: {  	_ =	swait.ge [sflag:s29], $0x1  }
0xb5: {  	[sflag:s29] =	ssyncadd.s32 $0xFFFFFFFF  }
0xb6: {  	_ =	strace $0x90000048  }
0xb7: {  	_ =	sfence  }
0xb8: {  	s30 =	sld [smem:$0x0];
	_ =	sdelay $0x2  }
0xb9: {  	s31 =	sshll.u32 s1, $0xD;
	s1 =	sshrl.u32 s1, $0x2  }
0xba: {  	s3 =	sand.u32 $0x4000, s31;
	s1 =	sadd.s32 s1, s30  }
0xbb: {  	s0 =	sor.u32 s3, s0;
	s1 =	sshll.u32 s1, $0x11  }
0xbc: {  	s0 =	sor.u32 s1, s0  }
0xbd: {  	s0 =	sadd.s32 $0x8F2B, s0  }
0xbe: {  	[sflag:s0] =	ssyncadd.remote.s32 $0x1  }
0xbf: {  	_ =	sfence.sel $0xFFFF  }
0xc0: {  	[dreg:$0x0] =	wrdreg $0xFFFFFFFF;
	(pc) =	sbr.abs _section_cstart, $3  }
0xc1: {  	[dreg:$0x1] =	wrdreg $0xFFFFFFFF  }
0xc2: {  	_ =	task.clear_ibuf [dreg:s7], $0x2FFFF;
	_ =	strace $0x9FFFFFFF  }
0xc3: {  	(tm) =	ssettm $0x7FFFFFFF  }
tec
execute0_lowered:
.L_overlay_start_1:
0x0: {  	(tag) =	ssettag $0x1  }
0x1: {  	s0 =	rddreg [dreg:$0x0]  }
0x2: {  	s1 =	rddreg [dreg:$0x1]  }
0x3: {  	s2 =	rddreg [dreg:$0x2]  }
0x4: {  	s10 =	stileid.u32;
	s3 =	srdreg.scid;
	s28 =	simm.s32 $0x1  }
0x5: {  	s29 =	simm.s32 $0x5;
	s30 =	simm.s32 $0x2;
	s6 =	smul.u32 $0x180, s10  }
0x6: {  	s31 =	simm.s32 $0x6;
	s4 =	sand.u32 $0x1, s3;
	s8 =	smul.u32 $0x3000, s10  }
0x7: {  	s5 =	sshll.u32 s10, $0x1;
	s3 =	simm.s32 $0x0;
	s17 =	smul.u32 $0x640000, s10  }
0x8: {  	s5 =	sor.u32 s4, s5;
	s9 =	ssub.s32 $0x2, s4;
	s4 =	smul.u32 $0x320000, s4  }
0x9: {  	s16 =	sshll.u32 s10, $0x6;
	[smem:$0x7FF] =	sst s3;
	s7 =	smul.u32 $0x6400, s5  }
0xa: {  	_ =	strace $0x80000047;
	s6 =	sadd.s32 s6, s0;
	s8 =	sshrl.u32 s8, $0x2  }
0xb: {  	s15 =	sshrl.u32 s9, $0x1;
	s5 =	smul.u32 $0x320000, s5;
	s8 =	sadd.s32 s8, s2  }
0xc: {  	s6 =	sadd.s32 $0x19600, s6;
	s4 =	sadd.s32 s4, s17;
	s7 =	sshrl.u32 s7, $0x3  }
0xd: {  	[dreg:$0x4] =	wrdreg s6;
	s6 =	sor.u32 $0x1C09, s16;
	s5 =	sshrl.u32 s5, $0x3  }
0xe: {  	s22 =	sor.u32 $0xC000, s4;
	s23 =	sor.u32 $0x8000, s4;
	s25 =	sor.u32 $0x4000, s4  }
0xf: {  	s4 =	sshrl.u32 s4, $0x3;
	s17 =	sshrl.u32 s8, $0x3;
	s0 =	sadd.s32 s7, s0  }
0x10: {  	s7 =	ssub.s32 s9, s15;
	[dreg:$0x5] =	wrdreg s6;
	s19 =	sadd.s32 s1, s5  }
0x11: {  	s24 =	sshrl.u32 s23, $0x3;
	s26 =	sshrl.u32 s25, $0x3;
	s16 =	sadd.s32 s4, s1  }
0x12: {  	s23 =	simm.s32 $0xE400;
	s25 =	simm.s32 $0x12400;
	s18 =	sadd.s32 $0x600, s0  }
0x13: {  	s0 =	sadd.s32 $0x680, s0;
	s5 =	sadd.s32 $0x62000, s19;
	s20 =	sadd.s32 $0x62800, s19  }
0x14: {  	s21 =	sadd.s32 $0x63000, s19;
	s11 =	sadd.s32 $0x63800, s19;
	[dreg:$0x6] =	wrdreg s18  }
0x15: {  	s12 =	smax.u32 s7, $0x1;
	s14 =	sadd.s32 s24, s1;
	[dreg:$0x7] =	wrdreg s0  }
0x16: {  	s15 =	sadd.s32 s26, s1;
	s19 =	simm.s32 $0x80;
	[dreg:$0x8] =	wrdreg s5  }
0x17: {  	s24 =	simm.s32 $0x8;
	s26 =	simm.s32 $0x0;
	[dreg:$0x9] =	wrdreg s20  }
0x18: {  	[dreg:$0xa] =	wrdreg s21;
	s0 =	sshrl.u32 s22, $0x3;
	s18 =	simm.s32 $0x9  }
0x19: {  	s20 =	simm.s32 $0x6400;
	s21 =	simm.s32 $0xA400;
	s22 =	simm.s32 $0x4  }
0x1a: {  	s13 =	sadd.s32 s0, s1;
	s0 =	simm.s32 $0x3;
	s1 =	simm.s32 $0x7  }
.LBB2_1:
0x1b: {  	s4 =	rddreg [dreg:$0x4]  }
0x1c: {  	s5 =	rddreg [dreg:$0x5]  }
0x1d: {  	[spmem:s17], [sflag:s5] =	dma.local [hbm:s4], $0x180  }
0x1e: {  	_ =	swait.ge [sflag:s18], $0x180  }
0x1f: {  	[sflag:s18] =	ssyncset.done $0x0  }
0x20: {  	s9 =	rddreg [dreg:$0x6];
	[sflag:s18] =	ssyncadd.s32 $0xFFFFFE80  }
0x21: {  	[tilespmem:s3], [sflag:$0x9] =	stream.linear.gather [hbm4b:s9+s3], $0x400, $0x38;
	[tilespmem:$0x17000] =	vst v63  }
0x22: {  	_ =	swait.ge [sflag:s18], $0x400  }
0x23: {  	[sflag:s18] =	ssyncset.done $0x0  }
0x24: {  	[sflag:s18] =	ssyncadd.s32 $0xFFFFFC00  }
0x25: {  	[bflag:$0x0] =	sbarrier.arrive $0xFFFF  }
0x26: {  	[tilespmem:s20], [sflag:$0x1] =	stream.indirect.gather [spmem:s2], $0x80, s3, s19, $0xb8;
	[tilespmem:$0x17000] =	vst v63  }
0x27: {  	_ = 	snop  }
0x28: {  	[tilespmem:s21], [sflag:$0x2] =	stream.indirect.gather [spmem:s2], $0x80, s19, s19, $0xb8;
	[tilespmem:$0x17000] =	vst v63  }
0x29: {  	s10 =	simm.s32 $0x100  }
0x2a: {  	[tilespmem:s23], [sflag:$0x3] =	stream.indirect.gather [spmem:s2], $0x80, s10, s19, $0xb8;
	[tilespmem:$0x17000] =	vst v63  }
0x2b: {  	s5 =	simm.s32 $0x180  }
0x2c: {  	[tilespmem:s25], [sflag:$0x4] =	stream.indirect.gather [spmem:s2], $0x80, s5, s19, $0xb8;
	[tilespmem:$0x17000] =	vst v63  }
0x2d: {  	s7 =	simm.s32 $0x400;
	s6 =	rddreg [dreg:$0x7]  }
0x2e: {  	[tilespmem:s7], [sflag:$0x9] =	stream.linear.gather [hbm4b:s6+s3], $0x6000, $0x38;
	[tilespmem:$0x17000] =	vst v63  }
0x2f: {  	_ =	swait.ge [sflag:s18], $0x6000  }
0x30: {  	[sflag:s18] =	ssyncset.done $0x0  }
0x31: {  	[sflag:s18] =	ssyncadd.s32 $0xFFFFA000  }
0x32: {  	_ =	swait.ge [sflag:s28], $0x4000  }
0x33: {  	[sflag:s28] =	ssyncset.done $0x0  }
0x34: {  	[sflag:s28] =	ssyncadd.s32 $0xFFFFC000  }
0x35: {  	[hbm4b:s16+s3] =	stream.linear.scatter [tilespmem:s20], [sflag:$0x5], $0x4000, $0x38;
	[tilespmem:$0x17000] =	vst v63  }
0x36: {  	_ =	swait.ge [sflag:s29], $0x4000  }
0x37: {  	[sflag:s29] =	ssyncset.done $0x0  }
0x38: {  	s8 =	simm.s32 $0x200;
	[sflag:s29] =	ssyncadd.s32 $0xFFFFC000  }
0x39: {  	[tilespmem:s20], [sflag:$0x1] =	stream.indirect.gather [spmem:s2], $0x80, s8, s19, $0xb8;
	[tilespmem:$0x17000] =	vst v63  }
0x3a: {  	_ =	swait.ge [sflag:s30], $0x4000  }
0x3b: {  	[sflag:s30] =	ssyncset.done $0x0  }
0x3c: {  	[sflag:s30] =	ssyncadd.s32 $0xFFFFC000  }
0x3d: {  	[hbm4b:s15+s3] =	stream.linear.scatter [tilespmem:s21], [sflag:$0x6], $0x4000, $0x38;
	[tilespmem:$0x17000] =	vst v63  }
0x3e: {  	_ =	swait.ge [sflag:s31], $0x4000  }
0x3f: {  	[sflag:s31] =	ssyncset.done $0x0  }
0x40: {  	s9 =	simm.s32 $0x280;
	[sflag:s31] =	ssyncadd.s32 $0xFFFFC000  }
0x41: {  	[tilespmem:s21], [sflag:$0x2] =	stream.indirect.gather [spmem:s2], $0x80, s9, s19, $0xb8;
	[tilespmem:$0x17000] =	vst v63  }
0x42: {  	_ =	swait.ge [sflag:s0], $0x4000  }
0x43: {  	[sflag:s0] =	ssyncset.done $0x0  }
0x44: {  	[sflag:s0] =	ssyncadd.s32 $0xFFFFC000  }
0x45: {  	[hbm4b:s14+s3] =	stream.linear.scatter [tilespmem:s23], [sflag:$0x7], $0x4000, $0x38;
	[tilespmem:$0x17000] =	vst v63  }
0x46: {  	_ =	swait.ge [sflag:s1], $0x4000  }
0x47: {  	[sflag:s1] =	ssyncset.done $0x0  }
0x48: {  	s10 =	simm.s32 $0x300;
	[sflag:s1] =	ssyncadd.s32 $0xFFFFC000  }
0x49: {  	[tilespmem:s23], [sflag:$0x3] =	stream.indirect.gather [spmem:s2], $0x80, s10, s19, $0xb8;
	[tilespmem:$0x17000] =	vst v63  }
0x4a: {  	_ =	swait.ge [sflag:s22], $0x4000  }
0x4b: {  	[sflag:s22] =	ssyncset.done $0x0  }
0x4c: {  	[sflag:s22] =	ssyncadd.s32 $0xFFFFC000  }
0x4d: {  	[hbm4b:s13+s3] =	stream.linear.scatter [tilespmem:s25], [sflag:$0x8], $0x4000, $0x38;
	[tilespmem:$0x17000] =	vst v63  }
0x4e: {  	s4 =	simm.s32 $0x800;
	s5 =	sadd.s32 $0x2000, s16;
	_ =	swait.ge [sflag:s24], $0x4000  }
0x4f: {  	s6 =	sadd.s32 $0x2000, s14;
	s7 =	sadd.s32 $0x2000, s15;
	[sflag:s24] =	ssyncset.done $0x0  }
0x50: {  	s8 =	sadd.s32 $0x2000, s13;
	s9 =	simm.s32 $0x380;
	[sflag:s24] =	ssyncadd.s32 $0xFFFFC000  }
.LBB2_2:
0x51: {  	[tilespmem:s25], [sflag:$0x4] =	stream.indirect.gather [spmem:s2], $0x80, s9, s19, $0xb8;
	[tilespmem:$0x17000] =	vst v63  }
0x52: {  	s9 =	smov.u32 s4  }
0x53: {  	p0 =	sne.s32 s4, $0x18000;
	s4 =	sadd.s32 $0x800, s4;
	_ =	swait.ge [sflag:s28], $0x4000  }
0x54: {  	[sflag:s28] =	ssyncset.done $0x0  }
0x55: {  	[sflag:s28] =	ssyncadd.s32 $0xFFFFC000  }
0x56: {  	[hbm4b:s5+s3] =	stream.linear.scatter [tilespmem:s20], [sflag:$0x5], $0x4000, $0x38;
	[tilespmem:$0x17000] =	vst v63  }
0x57: {  	_ =	swait.ge [sflag:s29], $0x4000  }
0x58: {  	s9 =	sshra.s32 s9, $0x2;
	[sflag:s29] =	ssyncset.done $0x0  }
0x59: {  	s10 =	sadd.s32 $0x200, s9;
	[sflag:s29] =	ssyncadd.s32 $0xFFFFC000  }
0x5a: {  	[tilespmem:s20], [sflag:$0x1] =	stream.indirect.gather [spmem:s2], $0x80, s10, s19, $0xb8;
	[tilespmem:$0x17000] =	vst v63  }
0x5b: {  	_ =	swait.ge [sflag:s30], $0x4000  }
0x5c: {  	[sflag:s30] =	ssyncset.done $0x0  }
0x5d: {  	[sflag:s30] =	ssyncadd.s32 $0xFFFFC000  }
0x5e: {  	[hbm4b:s7+s3] =	stream.linear.scatter [tilespmem:s21], [sflag:$0x6], $0x4000, $0x38;
	[tilespmem:$0x17000] =	vst v63  }
0x5f: {  	_ =	swait.ge [sflag:s31], $0x4000  }
0x60: {  	[sflag:s31] =	ssyncset.done $0x0  }
0x61: {  	s10 =	sadd.s32 $0x280, s9;
	[sflag:s31] =	ssyncadd.s32 $0xFFFFC000  }
0x62: {  	[tilespmem:s21], [sflag:$0x2] =	stream.indirect.gather [spmem:s2], $0x80, s10, s19, $0xb8;
	[tilespmem:$0x17000] =	vst v63  }
0x63: {  	_ =	swait.ge [sflag:s0], $0x4000  }
0x64: {  	[sflag:s0] =	ssyncset.done $0x0  }
0x65: {  	[sflag:s0] =	ssyncadd.s32 $0xFFFFC000  }
0x66: {  	[hbm4b:s6+s3] =	stream.linear.scatter [tilespmem:s23], [sflag:$0x7], $0x4000, $0x38;
	[tilespmem:$0x17000] =	vst v63  }
0x67: {  	_ =	swait.ge [sflag:s1], $0x4000  }
0x68: {  	[sflag:s1] =	ssyncset.done $0x0  }
0x69: {  	s10 =	sadd.s32 $0x300, s9;
	[sflag:s1] =	ssyncadd.s32 $0xFFFFC000  }
0x6a: {  	[tilespmem:s23], [sflag:$0x3] =	stream.indirect.gather [spmem:s2], $0x80, s10, s19, $0xb8;
	[tilespmem:$0x17000] =	vst v63  }
0x6b: {  	_ =	swait.ge [sflag:s22], $0x4000  }
0x6c: {  	[sflag:s22] =	ssyncset.done $0x0  }
.Ltmp0:
0x6d: {  	[sflag:s22] =	ssyncadd.s32 $0xFFFFC000;
	(pc) =	sbr.rel @p0 .LBB2_2-.Ltmp0, $4  }
0x6e: {  	[hbm4b:s8+s3] =	stream.linear.scatter [tilespmem:s25], [sflag:$0x8], $0x4000, $0x38;
	[tilespmem:$0x17000] =	vst v63  }
0x6f: {  	s5 =	sadd.s32 $0x2000, s5;
	_ =	swait.ge [sflag:s24], $0x4000  }
0x70: {  	s7 =	sadd.s32 $0x2000, s7;
	s6 =	sadd.s32 $0x2000, s6;
	[sflag:s24] =	ssyncset.done $0x0  }
0x71: {  	s9 =	sadd.s32 $0x380, s9;
	s8 =	sadd.s32 $0x2000, s8;
	[sflag:s24] =	ssyncadd.s32 $0xFFFFC000  }
0x72: {  	[tilespmem:s25], [sflag:$0x4] =	stream.indirect.gather [spmem:s2], $0x80, s9, s19, $0xb8;
	[tilespmem:$0x17000] =	vst v63  }
0x73: {  	_ =	swait.ge [sflag:s28], $0x4000  }
0x74: {  	[sflag:s28] =	ssyncset.done $0x0  }
0x75: {  	s4 =	rddreg [dreg:$0x8];
	[sflag:s28] =	ssyncadd.s32 $0xFFFFC000  }
0x76: {  	[hbm4b:s4+s3] =	stream.linear.scatter [tilespmem:s20], [sflag:$0x5], $0x4000, $0x38;
	[tilespmem:$0x17000] =	vst v63  }
0x77: {  	_ =	swait.ge [sflag:s30], $0x4000  }
0x78: {  	[sflag:s30] =	ssyncset.done $0x0  }
0x79: {  	s9 =	rddreg [dreg:$0x9];
	[sflag:s30] =	ssyncadd.s32 $0xFFFFC000  }
0x7a: {  	[hbm4b:s9+s3] =	stream.linear.scatter [tilespmem:s21], [sflag:$0x6], $0x4000, $0x38;
	[tilespmem:$0x17000] =	vst v63  }
0x7b: {  	_ =	swait.ge [sflag:s0], $0x4000  }
0x7c: {  	[sflag:s0] =	ssyncset.done $0x0  }
0x7d: {  	s10 =	rddreg [dreg:$0xa];
	[sflag:s0] =	ssyncadd.s32 $0xFFFFC000  }
0x7e: {  	[hbm4b:s10+s3] =	stream.linear.scatter [tilespmem:s23], [sflag:$0x7], $0x4000, $0x38;
	[tilespmem:$0x17000] =	vst v63  }
0x7f: {  	_ =	swait.ge [sflag:s22], $0x4000  }
0x80: {  	[sflag:s22] =	ssyncset.done $0x0  }
0x81: {  	[sflag:s22] =	ssyncadd.s32 $0xFFFFC000  }
0x82: {  	[hbm4b:s11+s3] =	stream.linear.scatter [tilespmem:s25], [sflag:$0x8], $0x4000, $0x38;
	[tilespmem:$0x17000] =	vst v63  }
0x83: {  	_ =	swait.ge [sflag:s29], $0x4000  }
0x84: {  	[sflag:s29] =	ssyncset.done $0x0  }
0x85: {  	[sflag:s29] =	ssyncadd.s32 $0xFFFFC000  }
0x86: {  	_ =	swait.ge [sflag:s31], $0x4000  }
0x87: {  	[sflag:s31] =	ssyncset.done $0x0  }
0x88: {  	s26 =	sadd.s32 $0x1, s26;
	[sflag:s31] =	ssyncadd.s32 $0xFFFFC000  }
0x89: {  	p0 =	sne.s32 s26, s12;
	_ =	swait.ge [sflag:s1], $0x4000  }
.Ltmp1:
0x8a: {  	[sflag:s1] =	ssyncset.done $0x0;
	(pc) =	sbr.rel @p0 .LBB2_1-.Ltmp1, $4  }
0x8b: {  	[sflag:s1] =	ssyncadd.s32 $0xFFFFC000  }
0x8c: {  	_ =	swait.ge [sflag:s24], $0x4000  }
0x8d: {  	[sflag:s24] =	ssyncset.done $0x0  }
0x8e: {  	[sflag:s24] =	ssyncadd.s32 $0xFFFFC000  }
0x8f: {  	_ =	sfence.sel $0x180000  }
0x90: {  	[bflag:$0x0] =	sbarrier.arrive $0xFFFF  }
0x91: {  	_ =	strace $0x90000047  }
0x92: {  	s0 =	stileid.u32;
	[bflag:$0x2] =	sbarrier.arrive $0xFFFF  }
0x93: {  	p0 =	sne.s32 s0, $0x0;
	s0 =	rddreg [dreg:$0x3]  }
0x94: {  	s0 =	sadd.s32 @!p0 $0x100000, s0  }
0x95: {  	[sflag:s0] =	ssyncadd.tile.s32 @!p0 $0x1;
	_ =	shalt  }
.Lfunc_end2:
_tile_overlayer_lowered:
.L_overlay_start_2:
0x96: {  	(tag) =	ssettag $0x2  }
0x97: {  	s0 =	rddreg [dreg:$0x0];
	s2 =	stileid.u32  }
0x98: {  	s1 =	rddreg [dreg:$0x1];
	p0 =	sne.s32 s2, $0x0  }
0x99: {  	s3 =	rddreg [dreg:$0x2];
	[bflag:$0x3] =	sbarrier.arrive $0xFFFF;
	s2 =	simm.s32 @!p0 $0x1C09  }
0x9a: {  	[timem:s3], [sflag:s2] =	dma.local @!p0 [hbm:s0], s1  }
0x9b: {  	s0 =	simm.s32 @!p0 $0x9  }
0x9c: {  	_ =	swait.ge @!p0 [sflag:s0], s1  }
0x9d: {  	s1 =	ssub.s32 @!p0 $0x0, s1;
	[sflag:s0] =	ssyncset.done @!p0 $0x0  }
0x9e: {  	[sflag:s0] =	ssyncadd.s32 @!p0 s1  }
0x9f: {  	[bflag:$0x3] =	sbarrier.arrive $0xFFFF  }
0xa0: {  	_ =	shalt  }

</sc_bundles>
